<compile_context>
chip_gen: v7x
topology: tpu7x:2x2x1
jax: 0.10.2.dev20260603
libtpu: 0.0.44.dev20260713+nightly
codegen_flags: <defaults>
</compile_context>

<pallas_src>
import functools

import jax
import jax.numpy as jnp
from jax import lax
from jax.experimental import pallas as pl
from jax.experimental.pallas import tpu as pltpu
from jax.experimental.pallas import tpu_sc as plsc

_NC = 2
_NS = 16
_NW = _NC * _NS
_CHUNK = 128
_HEAD = 128


def _sc_gather(head_t, tail_t, idx, B):
    b_per_w = B // _NW
    n_chunks = b_per_w // _CHUNK

    mesh = plsc.VectorSubcoreMesh(core_axis_name="c", subcore_axis_name="s")

    @functools.partial(
        pl.kernel,
        mesh=mesh,
        out_type=(
            jax.ShapeDtypeStruct((B, _HEAD), jnp.float32),
            jax.ShapeDtypeStruct((B, _HEAD), jnp.float32),
        ),
        scratch_types=[
            pltpu.VMEM((b_per_w,), jnp.int32),
            pltpu.VMEM((2, _CHUNK, _HEAD), jnp.float32),
            pltpu.VMEM((2, _CHUNK, _HEAD), jnp.float32),
            pltpu.SemaphoreType.DMA,
        ],
    )
    def gather_kernel(head_hbm, tail_hbm, idx_hbm, outa_hbm, outt_hbm,
                      idx_v, rows_v, tails_v, sem):
        wid = lax.axis_index("s") * _NC + lax.axis_index("c")
        base = wid * b_per_w
        pltpu.sync_copy(idx_hbm.at[pl.ds(base, b_per_w)], idx_v)

        def start(j):
            sl = idx_v.at[pl.ds(j * _CHUNK, _CHUNK)]
            return (
                pltpu.async_copy(head_hbm.at[sl], rows_v.at[j % 2], sem),
                pltpu.async_copy(tail_hbm.at[sl], tails_v.at[j % 2], sem),
            )

        copies = [start(0)]
        for j in range(n_chunks):
            if j + 1 < n_chunks:
                copies.append(start(j + 1))
            copies[j][0].wait()
            copies[j][1].wait()
            rows = pl.ds(base + j * _CHUNK, _CHUNK)
            pltpu.sync_copy(rows_v.at[j % 2], outa_hbm.at[rows])
            pltpu.sync_copy(tails_v.at[j % 2], outt_hbm.at[rows])

    return gather_kernel(head_t, tail_t, idx)


def kernel(state, q_table):
    V, O, A = q_table.shape
    D = O * A
    B = state.shape[0]
    tail_w = D - _HEAD
    n_head = _HEAD // A
    idx = state.astype(jnp.int32)
    head_t = q_table[:, :n_head, :].reshape(V, _HEAD)
    tail_t = jnp.pad(q_table[:, n_head:, :].reshape(V, tail_w),
                     ((0, 0), (0, _HEAD - tail_w)))
    out_head, out_tail = _sc_gather(head_t, tail_t, idx, B)
    out = jnp.concatenate([out_head, out_tail[:, :tail_w]], axis=1)
    return out.reshape(B, O, A)

# --- scband reference (transcript-rebuilt; emitter-appended) ---
"""Pipeline reference for scband-rlpolicy-table-based-15522011808288 (READ-ONLY COPY).

The authoritative reference and input builder live on the scoring server;
editing this copy changes nothing except your own understanding.
"""

import jax, jax.numpy as jnp
import numpy as np

COMPRESSED_STATE_SPACE = (1 + 3 * 2 * 4) ** 4  # 390625, matches num_hosts=4
OBS_SPACE_SHAPE = 10
ACTION_SPACE_SHAPE = 16
BATCH = 16384


def setup_inputs(seed: int = 0) -> dict:
    key = jax.random.key(seed)
    k_idx, k_tab = jax.random.split(key)
    state = jax.random.randint(k_idx, (BATCH,), 0, COMPRESSED_STATE_SPACE, dtype=jnp.int64 if jax.config.jax_enable_x64 else jnp.int32)
    # q_table is the learned parameter (initialized to zeros in the original
    # module; we use small random values so the lookup output is nontrivial)
    q_table = jax.random.normal(k_tab, (COMPRESSED_STATE_SPACE, OBS_SPACE_SHAPE, ACTION_SPACE_SHAPE), dtype=jnp.float32) * 0.01
    return {"state": state, "q_table": q_table}


def reference(state, q_table):
    # Core memory-bound op of RLPolicyTableBased.get_action_and_value:
    #   logits = self.q_table[state]
    # i.e. a row-gather (embedding lookup) into the Q-table. The surrounding
    # obs_to_state compression is host-side python bookkeeping (per-host
    # if/else on scalar flags) and the Categorical sample is stochastic; the
    # differentiable, bandwidth-dominated computation is this gather.
    logits = jnp.take(q_table, state, axis=0)  # [B, obs_space_shape, action_space_shape]
    return logits

if __name__ == "__main__":
    import jax
    _d = setup_inputs()
    print(jax.jit(kernel)(*tuple(_d.values())))

</pallas_src>

<mosaic_0001>
#map = affine_map<(d0, d1) -> (0, 0)>
#map1 = affine_map<(d0, d1) -> (0)>
module attributes {stable_mosaic.version = 14 : i64} {
  func.func @gather_kernel(%arg0: i32, %arg1: i32, %arg2: memref<390625x128xf32, #tpu.memory_space<hbm>>, %arg3: memref<390625x128xf32, #tpu.memory_space<hbm>>, %arg4: memref<16384xi32, #tpu.memory_space<hbm>>, %arg5: memref<16384x128xf32, #tpu.memory_space<hbm>>, %arg6: memref<16384x128xf32, #tpu.memory_space<hbm>>, %arg7: memref<512xi32, #tpu.memory_space<vmem>>, %arg8: memref<2x128x128xf32, #tpu.memory_space<vmem>>, %arg9: memref<2x128x128xf32, #tpu.memory_space<vmem>>, %arg10: memref<!tpu.dma_semaphore, #tpu.memory_space<semaphore_mem>>) attributes {dimension_semantics = [#tpu.dimension_semantics<core_parallel>, #tpu.dimension_semantics<subcore_parallel>], iteration_bounds = array<i64: 2, 16>, scalar_prefetch = 0 : i64, scratch_operands = 4 : i64, tpu.core_type = #tpu.core_type<sc_vector_subcore>, window_params = [{transform_indices = #map}, {transform_indices = #map}, {transform_indices = #map1}, {transform_indices = #map}, {transform_indices = #map}]} {
    %mul3A = arith.constant 2 : i32
    %mul3A_0 = arith.muli %arg1, %mul3A : i32
    %add3A = arith.addi %mul3A_0, %arg0 : i32
    %mul3A_1 = arith.constant 512 : i32
    %mul3A_2 = arith.muli %add3A, %mul3A_1 : i32
    "tpu.region"() ({
      %run_scoped3A_176 = tpu.sem_alloc : memref<!tpu.dma_semaphore, #tpu.memory_space<semaphore_mem>>
      %dma_start3A_177 = tpu.memref_slice %arg4[%mul3A_2] : memref<16384xi32, #tpu.memory_space<hbm>> -> memref<512xi32, #tpu.memory_space<hbm>>
      %dma_start3A_178 = tpu.memref_slice %arg4[%mul3A_2] : memref<16384xi32, #tpu.memory_space<hbm>> -> memref<512xi32, #tpu.memory_space<hbm>>
      tpu.enqueue_dma source(%dma_start3A_178 : memref<512xi32, #tpu.memory_space<hbm>>) target(%arg7 : memref<512xi32, #tpu.memory_space<vmem>>) target_semaphore(%run_scoped3A_176 : memref<!tpu.dma_semaphore, #tpu.memory_space<semaphore_mem>>)
      %dma_wait3A_179 = tpu.memref_slice %arg4[%mul3A_2] : memref<16384xi32, #tpu.memory_space<hbm>> -> memref<512xi32, #tpu.memory_space<hbm>>
      %dma_wait3A_180 = tpu.memref_slice %arg4[%mul3A_2] : memref<16384xi32, #tpu.memory_space<hbm>> -> memref<512xi32, #tpu.memory_space<hbm>>
      tpu.wait_dma2 semaphore(%run_scoped3A_176 : memref<!tpu.dma_semaphore, #tpu.memory_space<semaphore_mem>>) src(%dma_wait3A_180 : memref<512xi32, #tpu.memory_space<hbm>>) dst(%arg7 : memref<512xi32, #tpu.memory_space<vmem>>)
      tpu.yield
    }) : () -> ()
    %dma_start3A = arith.constant 0 : i32
    %dma_start3A_3 = arith.constant 0 : i32
    %dma_start3A_4 = arith.constant 0 : i32
    %dma_start3A_5 = tpu.memref_slice %arg8[%dma_start3A, %dma_start3A_3, %dma_start3A_4] : memref<2x128x128xf32, #tpu.memory_space<vmem>> -> memref<1x128x128xf32, #tpu.memory_space<vmem>>
    %dma_start3A_6 = tpu.memref_squeeze %dma_start3A_5 : memref<1x128x128xf32, #tpu.memory_space<vmem>> -> memref<128x128xf32, #tpu.memory_space<vmem>>
    %dma_start3A_7 = arith.constant 0 : i32
    %dma_start3A_8 = tpu.memref_slice %arg7[%dma_start3A_7] : memref<512xi32, #tpu.memory_space<vmem>> -> memref<128xi32, #tpu.memory_space<vmem>>
    %dma_start3A_9 = arith.constant 0 : i32
    %dma_start3A_10 = arith.constant 0 : i32
    %dma_start3A_11 = tpu.memref_slice %arg2[%dma_start3A_9, %dma_start3A_10] : memref<390625x128xf32, #tpu.memory_space<hbm>> -> memref<390625x128xf32, #tpu.memory_space<hbm>>
    tpu.enqueue_indirect_dma source(%dma_start3A_11 : memref<390625x128xf32, #tpu.memory_space<hbm>>) target(%dma_start3A_6 : memref<128x128xf32, #tpu.memory_space<vmem>>) offsets(%dma_start3A_8 : memref<128xi32, #tpu.memory_space<vmem>>) semaphore(%arg10 : memref<!tpu.dma_semaphore, #tpu.memory_space<semaphore_mem>>)
    %dma_start3A_12 = arith.constant 0 : i32
    %dma_start3A_13 = arith.constant 0 : i32
    %dma_start3A_14 = arith.constant 0 : i32
    %dma_start3A_15 = tpu.memref_slice %arg9[%dma_start3A_12, %dma_start3A_13, %dma_start3A_14] : memref<2x128x128xf32, #tpu.memory_space<vmem>> -> memref<1x128x128xf32, #tpu.memory_space<vmem>>
    %dma_start3A_16 = tpu.memref_squeeze %dma_start3A_15 : memref<1x128x128xf32, #tpu.memory_space<vmem>> -> memref<128x128xf32, #tpu.memory_space<vmem>>
    %dma_start3A_17 = arith.constant 0 : i32
    %dma_start3A_18 = tpu.memref_slice %arg7[%dma_start3A_17] : memref<512xi32, #tpu.memory_space<vmem>> -> memref<128xi32, #tpu.memory_space<vmem>>
    %dma_start3A_19 = arith.constant 0 : i32
    %dma_start3A_20 = arith.constant 0 : i32
    %dma_start3A_21 = tpu.memref_slice %arg3[%dma_start3A_19, %dma_start3A_20] : memref<390625x128xf32, #tpu.memory_space<hbm>> -> memref<390625x128xf32, #tpu.memory_space<hbm>>
    tpu.enqueue_indirect_dma source(%dma_start3A_21 : memref<390625x128xf32, #tpu.memory_space<hbm>>) target(%dma_start3A_16 : memref<128x128xf32, #tpu.memory_space<vmem>>) offsets(%dma_start3A_18 : memref<128xi32, #tpu.memory_space<vmem>>) semaphore(%arg10 : memref<!tpu.dma_semaphore, #tpu.memory_space<semaphore_mem>>)
    %dma_start3A_22 = arith.constant 1 : i32
    %dma_start3A_23 = arith.constant 0 : i32
    %dma_start3A_24 = arith.constant 0 : i32
    %dma_start3A_25 = tpu.memref_slice %arg8[%dma_start3A_22, %dma_start3A_23, %dma_start3A_24] : memref<2x128x128xf32, #tpu.memory_space<vmem>> -> memref<1x128x128xf32, #tpu.memory_space<vmem>>
    %dma_start3A_26 = tpu.memref_squeeze %dma_start3A_25 : memref<1x128x128xf32, #tpu.memory_space<vmem>> -> memref<128x128xf32, #tpu.memory_space<vmem>>
    %dma_start3A_27 = arith.constant 128 : i32
    %dma_start3A_28 = tpu.memref_slice %arg7[%dma_start3A_27] : memref<512xi32, #tpu.memory_space<vmem>> -> memref<128xi32, #tpu.memory_space<vmem>>
    %dma_start3A_29 = arith.constant 0 : i32
    %dma_start3A_30 = arith.constant 0 : i32
    %dma_start3A_31 = tpu.memref_slice %arg2[%dma_start3A_29, %dma_start3A_30] : memref<390625x128xf32, #tpu.memory_space<hbm>> -> memref<390625x128xf32, #tpu.memory_space<hbm>>
    tpu.enqueue_indirect_dma source(%dma_start3A_31 : memref<390625x128xf32, #tpu.memory_space<hbm>>) target(%dma_start3A_26 : memref<128x128xf32, #tpu.memory_space<vmem>>) offsets(%dma_start3A_28 : memref<128xi32, #tpu.memory_space<vmem>>) semaphore(%arg10 : memref<!tpu.dma_semaphore, #tpu.memory_space<semaphore_mem>>)
    %dma_start3A_32 = arith.constant 1 : i32
    %dma_start3A_33 = arith.constant 0 : i32
    %dma_start3A_34 = arith.constant 0 : i32
    %dma_start3A_35 = tpu.memref_slice %arg9[%dma_start3A_32, %dma_start3A_33, %dma_start3A_34] : memref<2x128x128xf32, #tpu.memory_space<vmem>> -> memref<1x128x128xf32, #tpu.memory_space<vmem>>
    %dma_start3A_36 = tpu.memref_squeeze %dma_start3A_35 : memref<1x128x128xf32, #tpu.memory_space<vmem>> -> memref<128x128xf32, #tpu.memory_space<vmem>>
    %dma_start3A_37 = arith.constant 128 : i32
    %dma_start3A_38 = tpu.memref_slice %arg7[%dma_start3A_37] : memref<512xi32, #tpu.memory_space<vmem>> -> memref<128xi32, #tpu.memory_space<vmem>>
    %dma_start3A_39 = arith.constant 0 : i32
    %dma_start3A_40 = arith.constant 0 : i32
    %dma_start3A_41 = tpu.memref_slice %arg3[%dma_start3A_39, %dma_start3A_40] : memref<390625x128xf32, #tpu.memory_space<hbm>> -> memref<390625x128xf32, #tpu.memory_space<hbm>>
    tpu.enqueue_indirect_dma source(%dma_start3A_41 : memref<390625x128xf32, #tpu.memory_space<hbm>>) target(%dma_start3A_36 : memref<128x128xf32, #tpu.memory_space<vmem>>) offsets(%dma_start3A_38 : memref<128xi32, #tpu.memory_space<vmem>>) semaphore(%arg10 : memref<!tpu.dma_semaphore, #tpu.memory_space<semaphore_mem>>)
    %dma_wait3A = arith.constant 0 : i32
    %dma_wait3A_42 = arith.constant 0 : i32
    %dma_wait3A_43 = arith.constant 0 : i32
    %dma_wait3A_44 = tpu.memref_slice %arg8[%dma_wait3A, %dma_wait3A_42, %dma_wait3A_43] : memref<2x128x128xf32, #tpu.memory_space<vmem>> -> memref<1x128x128xf32, #tpu.memory_space<vmem>>
    %dma_wait3A_45 = tpu.memref_squeeze %dma_wait3A_44 : memref<1x128x128xf32, #tpu.memory_space<vmem>> -> memref<128x128xf32, #tpu.memory_space<vmem>>
    %dma_wait3A_46 = arith.constant 0 : i32
    %dma_wait3A_47 = tpu.memref_slice %arg7[%dma_wait3A_46] : memref<512xi32, #tpu.memory_space<vmem>> -> memref<128xi32, #tpu.memory_space<vmem>>
    %dma_wait3A_48 = arith.constant 0 : i32
    %dma_wait3A_49 = arith.constant 0 : i32
    %dma_wait3A_50 = tpu.memref_slice %arg2[%dma_wait3A_48, %dma_wait3A_49] : memref<390625x128xf32, #tpu.memory_space<hbm>> -> memref<390625x128xf32, #tpu.memory_space<hbm>>
    tpu.wait_indirect_dma semaphore(%arg10 : memref<!tpu.dma_semaphore, #tpu.memory_space<semaphore_mem>>) src(%dma_wait3A_50 : memref<390625x128xf32, #tpu.memory_space<hbm>>) dst(%dma_wait3A_45 : memref<128x128xf32, #tpu.memory_space<vmem>>)
    %dma_wait3A_51 = arith.constant 0 : i32
    %dma_wait3A_52 = arith.constant 0 : i32
    %dma_wait3A_53 = arith.constant 0 : i32
    %dma_wait3A_54 = tpu.memref_slice %arg9[%dma_wait3A_51, %dma_wait3A_52, %dma_wait3A_53] : memref<2x128x128xf32, #tpu.memory_space<vmem>> -> memref<1x128x128xf32, #tpu.memory_space<vmem>>
    %dma_wait3A_55 = tpu.memref_squeeze %dma_wait3A_54 : memref<1x128x128xf32, #tpu.memory_space<vmem>> -> memref<128x128xf32, #tpu.memory_space<vmem>>
    %dma_wait3A_56 = arith.constant 0 : i32
    %dma_wait3A_57 = tpu.memref_slice %arg7[%dma_wait3A_56] : memref<512xi32, #tpu.memory_space<vmem>> -> memref<128xi32, #tpu.memory_space<vmem>>
    %dma_wait3A_58 = arith.constant 0 : i32
    %dma_wait3A_59 = arith.constant 0 : i32
    %dma_wait3A_60 = tpu.memref_slice %arg3[%dma_wait3A_58, %dma_wait3A_59] : memref<390625x128xf32, #tpu.memory_space<hbm>> -> memref<390625x128xf32, #tpu.memory_space<hbm>>
    tpu.wait_indirect_dma semaphore(%arg10 : memref<!tpu.dma_semaphore, #tpu.memory_space<semaphore_mem>>) src(%dma_wait3A_60 : memref<390625x128xf32, #tpu.memory_space<hbm>>) dst(%dma_wait3A_55 : memref<128x128xf32, #tpu.memory_space<vmem>>)
    %add3A_61 = arith.constant 0 : i32
    %add3A_62 = arith.addi %mul3A_2, %add3A_61 : i32
    %run_scoped3A = arith.constant 0 : i32
    "tpu.region"() ({
      %run_scoped3A_176 = tpu.sem_alloc : memref<!tpu.dma_semaphore, #tpu.memory_space<semaphore_mem>>
      %dma_start3A_177 = arith.constant 0 : i32
      %dma_start3A_178 = arith.constant 0 : i32
      %dma_start3A_179 = tpu.memref_slice %arg8[%run_scoped3A, %dma_start3A_177, %dma_start3A_178] : memref<2x128x128xf32, #tpu.memory_space<vmem>> -> memref<1x128x128xf32, #tpu.memory_space<vmem>>
      %dma_start3A_180 = tpu.memref_squeeze %dma_start3A_179 : memref<1x128x128xf32, #tpu.memory_space<vmem>> -> memref<128x128xf32, #tpu.memory_space<vmem>>
      %dma_start3A_181 = arith.constant 0 : i32
      %dma_start3A_182 = tpu.memref_slice %arg5[%add3A_62, %dma_start3A_181] : memref<16384x128xf32, #tpu.memory_space<hbm>> -> memref<128x128xf32, #tpu.memory_space<hbm>>
      %dma_start3A_183 = arith.constant 0 : i32
      %dma_start3A_184 = tpu.memref_slice %arg5[%add3A_62, %dma_start3A_183] : memref<16384x128xf32, #tpu.memory_space<hbm>> -> memref<128x128xf32, #tpu.memory_space<hbm>>
      %dma_start3A_185 = arith.constant 0 : i32
      %dma_start3A_186 = arith.constant 0 : i32
      %dma_start3A_187 = tpu.memref_slice %arg8[%run_scoped3A, %dma_start3A_185, %dma_start3A_186] : memref<2x128x128xf32, #tpu.memory_space<vmem>> -> memref<1x128x128xf32, #tpu.memory_space<vmem>>
      %dma_start3A_188 = tpu.memref_squeeze %dma_start3A_187 : memref<1x128x128xf32, #tpu.memory_space<vmem>> -> memref<128x128xf32, #tpu.memory_space<vmem>>
      tpu.enqueue_dma source(%dma_start3A_188 : memref<128x128xf32, #tpu.memory_space<vmem>>) target(%dma_start3A_184 : memref<128x128xf32, #tpu.memory_space<hbm>>) target_semaphore(%run_scoped3A_176 : memref<!tpu.dma_semaphore, #tpu.memory_space<semaphore_mem>>)
      %dma_wait3A_189 = arith.constant 0 : i32
      %dma_wait3A_190 = arith.constant 0 : i32
      %dma_wait3A_191 = tpu.memref_slice %arg8[%run_scoped3A, %dma_wait3A_189, %dma_wait3A_190] : memref<2x128x128xf32, #tpu.memory_space<vmem>> -> memref<1x128x128xf32, #tpu.memory_space<vmem>>
      %dma_wait3A_192 = tpu.memref_squeeze %dma_wait3A_191 : memref<1x128x128xf32, #tpu.memory_space<vmem>> -> memref<128x128xf32, #tpu.memory_space<vmem>>
      %dma_wait3A_193 = arith.constant 0 : i32
      %dma_wait3A_194 = tpu.memref_slice %arg5[%add3A_62, %dma_wait3A_193] : memref<16384x128xf32, #tpu.memory_space<hbm>> -> memref<128x128xf32, #tpu.memory_space<hbm>>
      %dma_wait3A_195 = arith.constant 0 : i32
      %dma_wait3A_196 = tpu.memref_slice %arg5[%add3A_62, %dma_wait3A_195] : memref<16384x128xf32, #tpu.memory_space<hbm>> -> memref<128x128xf32, #tpu.memory_space<hbm>>
      %dma_wait3A_197 = arith.constant 0 : i32
      %dma_wait3A_198 = arith.constant 0 : i32
      %dma_wait3A_199 = tpu.memref_slice %arg8[%run_scoped3A, %dma_wait3A_197, %dma_wait3A_198] : memref<2x128x128xf32, #tpu.memory_space<vmem>> -> memref<1x128x128xf32, #tpu.memory_space<vmem>>
      %dma_wait3A_200 = tpu.memref_squeeze %dma_wait3A_199 : memref<1x128x128xf32, #tpu.memory_space<vmem>> -> memref<128x128xf32, #tpu.memory_space<vmem>>
      tpu.wait_dma2 semaphore(%run_scoped3A_176 : memref<!tpu.dma_semaphore, #tpu.memory_space<semaphore_mem>>) src(%dma_wait3A_200 : memref<128x128xf32, #tpu.memory_space<vmem>>) dst(%dma_wait3A_196 : memref<128x128xf32, #tpu.memory_space<hbm>>)
      tpu.yield
    }) : () -> ()
    %run_scoped3A_63 = arith.constant 0 : i32
    "tpu.region"() ({
      %run_scoped3A_176 = tpu.sem_alloc : memref<!tpu.dma_semaphore, #tpu.memory_space<semaphore_mem>>
      %dma_start3A_177 = arith.constant 0 : i32
      %dma_start3A_178 = arith.constant 0 : i32
      %dma_start3A_179 = tpu.memref_slice %arg9[%run_scoped3A_63, %dma_start3A_177, %dma_start3A_178] : memref<2x128x128xf32, #tpu.memory_space<vmem>> -> memref<1x128x128xf32, #tpu.memory_space<vmem>>
      %dma_start3A_180 = tpu.memref_squeeze %dma_start3A_179 : memref<1x128x128xf32, #tpu.memory_space<vmem>> -> memref<128x128xf32, #tpu.memory_space<vmem>>
      %dma_start3A_181 = arith.constant 0 : i32
      %dma_start3A_182 = tpu.memref_slice %arg6[%add3A_62, %dma_start3A_181] : memref<16384x128xf32, #tpu.memory_space<hbm>> -> memref<128x128xf32, #tpu.memory_space<hbm>>
      %dma_start3A_183 = arith.constant 0 : i32
      %dma_start3A_184 = tpu.memref_slice %arg6[%add3A_62, %dma_start3A_183] : memref<16384x128xf32, #tpu.memory_space<hbm>> -> memref<128x128xf32, #tpu.memory_space<hbm>>
      %dma_start3A_185 = arith.constant 0 : i32
      %dma_start3A_186 = arith.constant 0 : i32
      %dma_start3A_187 = tpu.memref_slice %arg9[%run_scoped3A_63, %dma_start3A_185, %dma_start3A_186] : memref<2x128x128xf32, #tpu.memory_space<vmem>> -> memref<1x128x128xf32, #tpu.memory_space<vmem>>
      %dma_start3A_188 = tpu.memref_squeeze %dma_start3A_187 : memref<1x128x128xf32, #tpu.memory_space<vmem>> -> memref<128x128xf32, #tpu.memory_space<vmem>>
      tpu.enqueue_dma source(%dma_start3A_188 : memref<128x128xf32, #tpu.memory_space<vmem>>) target(%dma_start3A_184 : memref<128x128xf32, #tpu.memory_space<hbm>>) target_semaphore(%run_scoped3A_176 : memref<!tpu.dma_semaphore, #tpu.memory_space<semaphore_mem>>)
      %dma_wait3A_189 = arith.constant 0 : i32
      %dma_wait3A_190 = arith.constant 0 : i32
      %dma_wait3A_191 = tpu.memref_slice %arg9[%run_scoped3A_63, %dma_wait3A_189, %dma_wait3A_190] : memref<2x128x128xf32, #tpu.memory_space<vmem>> -> memref<1x128x128xf32, #tpu.memory_space<vmem>>
      %dma_wait3A_192 = tpu.memref_squeeze %dma_wait3A_191 : memref<1x128x128xf32, #tpu.memory_space<vmem>> -> memref<128x128xf32, #tpu.memory_space<vmem>>
      %dma_wait3A_193 = arith.constant 0 : i32
      %dma_wait3A_194 = tpu.memref_slice %arg6[%add3A_62, %dma_wait3A_193] : memref<16384x128xf32, #tpu.memory_space<hbm>> -> memref<128x128xf32, #tpu.memory_space<hbm>>
      %dma_wait3A_195 = arith.constant 0 : i32
      %dma_wait3A_196 = tpu.memref_slice %arg6[%add3A_62, %dma_wait3A_195] : memref<16384x128xf32, #tpu.memory_space<hbm>> -> memref<128x128xf32, #tpu.memory_space<hbm>>
      %dma_wait3A_197 = arith.constant 0 : i32
      %dma_wait3A_198 = arith.constant 0 : i32
      %dma_wait3A_199 = tpu.memref_slice %arg9[%run_scoped3A_63, %dma_wait3A_197, %dma_wait3A_198] : memref<2x128x128xf32, #tpu.memory_space<vmem>> -> memref<1x128x128xf32, #tpu.memory_space<vmem>>
      %dma_wait3A_200 = tpu.memref_squeeze %dma_wait3A_199 : memref<1x128x128xf32, #tpu.memory_space<vmem>> -> memref<128x128xf32, #tpu.memory_space<vmem>>
      tpu.wait_dma2 semaphore(%run_scoped3A_176 : memref<!tpu.dma_semaphore, #tpu.memory_space<semaphore_mem>>) src(%dma_wait3A_200 : memref<128x128xf32, #tpu.memory_space<vmem>>) dst(%dma_wait3A_196 : memref<128x128xf32, #tpu.memory_space<hbm>>)
      tpu.yield
    }) : () -> ()
    %dma_start3A_64 = arith.constant 0 : i32
    %dma_start3A_65 = arith.constant 0 : i32
    %dma_start3A_66 = arith.constant 0 : i32
    %dma_start3A_67 = tpu.memref_slice %arg8[%dma_start3A_64, %dma_start3A_65, %dma_start3A_66] : memref<2x128x128xf32, #tpu.memory_space<vmem>> -> memref<1x128x128xf32, #tpu.memory_space<vmem>>
    %dma_start3A_68 = tpu.memref_squeeze %dma_start3A_67 : memref<1x128x128xf32, #tpu.memory_space<vmem>> -> memref<128x128xf32, #tpu.memory_space<vmem>>
    %dma_start3A_69 = arith.constant 256 : i32
    %dma_start3A_70 = tpu.memref_slice %arg7[%dma_start3A_69] : memref<512xi32, #tpu.memory_space<vmem>> -> memref<128xi32, #tpu.memory_space<vmem>>
    %dma_start3A_71 = arith.constant 0 : i32
    %dma_start3A_72 = arith.constant 0 : i32
    %dma_start3A_73 = tpu.memref_slice %arg2[%dma_start3A_71, %dma_start3A_72] : memref<390625x128xf32, #tpu.memory_space<hbm>> -> memref<390625x128xf32, #tpu.memory_space<hbm>>
    tpu.enqueue_indirect_dma source(%dma_start3A_73 : memref<390625x128xf32, #tpu.memory_space<hbm>>) target(%dma_start3A_68 : memref<128x128xf32, #tpu.memory_space<vmem>>) offsets(%dma_start3A_70 : memref<128xi32, #tpu.memory_space<vmem>>) semaphore(%arg10 : memref<!tpu.dma_semaphore, #tpu.memory_space<semaphore_mem>>)
    %dma_start3A_74 = arith.constant 0 : i32
    %dma_start3A_75 = arith.constant 0 : i32
    %dma_start3A_76 = arith.constant 0 : i32
    %dma_start3A_77 = tpu.memref_slice %arg9[%dma_start3A_74, %dma_start3A_75, %dma_start3A_76] : memref<2x128x128xf32, #tpu.memory_space<vmem>> -> memref<1x128x128xf32, #tpu.memory_space<vmem>>
    %dma_start3A_78 = tpu.memref_squeeze %dma_start3A_77 : memref<1x128x128xf32, #tpu.memory_space<vmem>> -> memref<128x128xf32, #tpu.memory_space<vmem>>
    %dma_start3A_79 = arith.constant 256 : i32
    %dma_start3A_80 = tpu.memref_slice %arg7[%dma_start3A_79] : memref<512xi32, #tpu.memory_space<vmem>> -> memref<128xi32, #tpu.memory_space<vmem>>
    %dma_start3A_81 = arith.constant 0 : i32
    %dma_start3A_82 = arith.constant 0 : i32
    %dma_start3A_83 = tpu.memref_slice %arg3[%dma_start3A_81, %dma_start3A_82] : memref<390625x128xf32, #tpu.memory_space<hbm>> -> memref<390625x128xf32, #tpu.memory_space<hbm>>
    tpu.enqueue_indirect_dma source(%dma_start3A_83 : memref<390625x128xf32, #tpu.memory_space<hbm>>) target(%dma_start3A_78 : memref<128x128xf32, #tpu.memory_space<vmem>>) offsets(%dma_start3A_80 : memref<128xi32, #tpu.memory_space<vmem>>) semaphore(%arg10 : memref<!tpu.dma_semaphore, #tpu.memory_space<semaphore_mem>>)
    %dma_wait3A_84 = arith.constant 1 : i32
    %dma_wait3A_85 = arith.constant 0 : i32
    %dma_wait3A_86 = arith.constant 0 : i32
    %dma_wait3A_87 = tpu.memref_slice %arg8[%dma_wait3A_84, %dma_wait3A_85, %dma_wait3A_86] : memref<2x128x128xf32, #tpu.memory_space<vmem>> -> memref<1x128x128xf32, #tpu.memory_space<vmem>>
    %dma_wait3A_88 = tpu.memref_squeeze %dma_wait3A_87 : memref<1x128x128xf32, #tpu.memory_space<vmem>> -> memref<128x128xf32, #tpu.memory_space<vmem>>
    %dma_wait3A_89 = arith.constant 128 : i32
    %dma_wait3A_90 = tpu.memref_slice %arg7[%dma_wait3A_89] : memref<512xi32, #tpu.memory_space<vmem>> -> memref<128xi32, #tpu.memory_space<vmem>>
    %dma_wait3A_91 = arith.constant 0 : i32
    %dma_wait3A_92 = arith.constant 0 : i32
    %dma_wait3A_93 = tpu.memref_slice %arg2[%dma_wait3A_91, %dma_wait3A_92] : memref<390625x128xf32, #tpu.memory_space<hbm>> -> memref<390625x128xf32, #tpu.memory_space<hbm>>
    tpu.wait_indirect_dma semaphore(%arg10 : memref<!tpu.dma_semaphore, #tpu.memory_space<semaphore_mem>>) src(%dma_wait3A_93 : memref<390625x128xf32, #tpu.memory_space<hbm>>) dst(%dma_wait3A_88 : memref<128x128xf32, #tpu.memory_space<vmem>>)
    %dma_wait3A_94 = arith.constant 1 : i32
    %dma_wait3A_95 = arith.constant 0 : i32
    %dma_wait3A_96 = arith.constant 0 : i32
    %dma_wait3A_97 = tpu.memref_slice %arg9[%dma_wait3A_94, %dma_wait3A_95, %dma_wait3A_96] : memref<2x128x128xf32, #tpu.memory_space<vmem>> -> memref<1x128x128xf32, #tpu.memory_space<vmem>>
    %dma_wait3A_98 = tpu.memref_squeeze %dma_wait3A_97 : memref<1x128x128xf32, #tpu.memory_space<vmem>> -> memref<128x128xf32, #tpu.memory_space<vmem>>
    %dma_wait3A_99 = arith.constant 128 : i32
    %dma_wait3A_100 = tpu.memref_slice %arg7[%dma_wait3A_99] : memref<512xi32, #tpu.memory_space<vmem>> -> memref<128xi32, #tpu.memory_space<vmem>>
    %dma_wait3A_101 = arith.constant 0 : i32
    %dma_wait3A_102 = arith.constant 0 : i32
    %dma_wait3A_103 = tpu.memref_slice %arg3[%dma_wait3A_101, %dma_wait3A_102] : memref<390625x128xf32, #tpu.memory_space<hbm>> -> memref<390625x128xf32, #tpu.memory_space<hbm>>
    tpu.wait_indirect_dma semaphore(%arg10 : memref<!tpu.dma_semaphore, #tpu.memory_space<semaphore_mem>>) src(%dma_wait3A_103 : memref<390625x128xf32, #tpu.memory_space<hbm>>) dst(%dma_wait3A_98 : memref<128x128xf32, #tpu.memory_space<vmem>>)
    %add3A_104 = arith.constant 128 : i32
    %add3A_105 = arith.addi %mul3A_2, %add3A_104 : i32
    %run_scoped3A_106 = arith.constant 1 : i32
    "tpu.region"() ({
      %run_scoped3A_176 = tpu.sem_alloc : memref<!tpu.dma_semaphore, #tpu.memory_space<semaphore_mem>>
      %dma_start3A_177 = arith.constant 0 : i32
      %dma_start3A_178 = arith.constant 0 : i32
      %dma_start3A_179 = tpu.memref_slice %arg8[%run_scoped3A_106, %dma_start3A_177, %dma_start3A_178] : memref<2x128x128xf32, #tpu.memory_space<vmem>> -> memref<1x128x128xf32, #tpu.memory_space<vmem>>
      %dma_start3A_180 = tpu.memref_squeeze %dma_start3A_179 : memref<1x128x128xf32, #tpu.memory_space<vmem>> -> memref<128x128xf32, #tpu.memory_space<vmem>>
      %dma_start3A_181 = arith.constant 0 : i32
      %dma_start3A_182 = tpu.memref_slice %arg5[%add3A_105, %dma_start3A_181] : memref<16384x128xf32, #tpu.memory_space<hbm>> -> memref<128x128xf32, #tpu.memory_space<hbm>>
      %dma_start3A_183 = arith.constant 0 : i32
      %dma_start3A_184 = tpu.memref_slice %arg5[%add3A_105, %dma_start3A_183] : memref<16384x128xf32, #tpu.memory_space<hbm>> -> memref<128x128xf32, #tpu.memory_space<hbm>>
      %dma_start3A_185 = arith.constant 0 : i32
      %dma_start3A_186 = arith.constant 0 : i32
      %dma_start3A_187 = tpu.memref_slice %arg8[%run_scoped3A_106, %dma_start3A_185, %dma_start3A_186] : memref<2x128x128xf32, #tpu.memory_space<vmem>> -> memref<1x128x128xf32, #tpu.memory_space<vmem>>
      %dma_start3A_188 = tpu.memref_squeeze %dma_start3A_187 : memref<1x128x128xf32, #tpu.memory_space<vmem>> -> memref<128x128xf32, #tpu.memory_space<vmem>>
      tpu.enqueue_dma source(%dma_start3A_188 : memref<128x128xf32, #tpu.memory_space<vmem>>) target(%dma_start3A_184 : memref<128x128xf32, #tpu.memory_space<hbm>>) target_semaphore(%run_scoped3A_176 : memref<!tpu.dma_semaphore, #tpu.memory_space<semaphore_mem>>)
      %dma_wait3A_189 = arith.constant 0 : i32
      %dma_wait3A_190 = arith.constant 0 : i32
      %dma_wait3A_191 = tpu.memref_slice %arg8[%run_scoped3A_106, %dma_wait3A_189, %dma_wait3A_190] : memref<2x128x128xf32, #tpu.memory_space<vmem>> -> memref<1x128x128xf32, #tpu.memory_space<vmem>>
      %dma_wait3A_192 = tpu.memref_squeeze %dma_wait3A_191 : memref<1x128x128xf32, #tpu.memory_space<vmem>> -> memref<128x128xf32, #tpu.memory_space<vmem>>
      %dma_wait3A_193 = arith.constant 0 : i32
      %dma_wait3A_194 = tpu.memref_slice %arg5[%add3A_105, %dma_wait3A_193] : memref<16384x128xf32, #tpu.memory_space<hbm>> -> memref<128x128xf32, #tpu.memory_space<hbm>>
      %dma_wait3A_195 = arith.constant 0 : i32
      %dma_wait3A_196 = tpu.memref_slice %arg5[%add3A_105, %dma_wait3A_195] : memref<16384x128xf32, #tpu.memory_space<hbm>> -> memref<128x128xf32, #tpu.memory_space<hbm>>
      %dma_wait3A_197 = arith.constant 0 : i32
      %dma_wait3A_198 = arith.constant 0 : i32
      %dma_wait3A_199 = tpu.memref_slice %arg8[%run_scoped3A_106, %dma_wait3A_197, %dma_wait3A_198] : memref<2x128x128xf32, #tpu.memory_space<vmem>> -> memref<1x128x128xf32, #tpu.memory_space<vmem>>
      %dma_wait3A_200 = tpu.memref_squeeze %dma_wait3A_199 : memref<1x128x128xf32, #tpu.memory_space<vmem>> -> memref<128x128xf32, #tpu.memory_space<vmem>>
      tpu.wait_dma2 semaphore(%run_scoped3A_176 : memref<!tpu.dma_semaphore, #tpu.memory_space<semaphore_mem>>) src(%dma_wait3A_200 : memref<128x128xf32, #tpu.memory_space<vmem>>) dst(%dma_wait3A_196 : memref<128x128xf32, #tpu.memory_space<hbm>>)
      tpu.yield
    }) : () -> ()
    %run_scoped3A_107 = arith.constant 1 : i32
    "tpu.region"() ({
      %run_scoped3A_176 = tpu.sem_alloc : memref<!tpu.dma_semaphore, #tpu.memory_space<semaphore_mem>>
      %dma_start3A_177 = arith.constant 0 : i32
      %dma_start3A_178 = arith.constant 0 : i32
      %dma_start3A_179 = tpu.memref_slice %arg9[%run_scoped3A_107, %dma_start3A_177, %dma_start3A_178] : memref<2x128x128xf32, #tpu.memory_space<vmem>> -> memref<1x128x128xf32, #tpu.memory_space<vmem>>
      %dma_start3A_180 = tpu.memref_squeeze %dma_start3A_179 : memref<1x128x128xf32, #tpu.memory_space<vmem>> -> memref<128x128xf32, #tpu.memory_space<vmem>>
      %dma_start3A_181 = arith.constant 0 : i32
      %dma_start3A_182 = tpu.memref_slice %arg6[%add3A_105, %dma_start3A_181] : memref<16384x128xf32, #tpu.memory_space<hbm>> -> memref<128x128xf32, #tpu.memory_space<hbm>>
      %dma_start3A_183 = arith.constant 0 : i32
      %dma_start3A_184 = tpu.memref_slice %arg6[%add3A_105, %dma_start3A_183] : memref<16384x128xf32, #tpu.memory_space<hbm>> -> memref<128x128xf32, #tpu.memory_space<hbm>>
      %dma_start3A_185 = arith.constant 0 : i32
      %dma_start3A_186 = arith.constant 0 : i32
      %dma_start3A_187 = tpu.memref_slice %arg9[%run_scoped3A_107, %dma_start3A_185, %dma_start3A_186] : memref<2x128x128xf32, #tpu.memory_space<vmem>> -> memref<1x128x128xf32, #tpu.memory_space<vmem>>
      %dma_start3A_188 = tpu.memref_squeeze %dma_start3A_187 : memref<1x128x128xf32, #tpu.memory_space<vmem>> -> memref<128x128xf32, #tpu.memory_space<vmem>>
      tpu.enqueue_dma source(%dma_start3A_188 : memref<128x128xf32, #tpu.memory_space<vmem>>) target(%dma_start3A_184 : memref<128x128xf32, #tpu.memory_space<hbm>>) target_semaphore(%run_scoped3A_176 : memref<!tpu.dma_semaphore, #tpu.memory_space<semaphore_mem>>)
      %dma_wait3A_189 = arith.constant 0 : i32
      %dma_wait3A_190 = arith.constant 0 : i32
      %dma_wait3A_191 = tpu.memref_slice %arg9[%run_scoped3A_107, %dma_wait3A_189, %dma_wait3A_190] : memref<2x128x128xf32, #tpu.memory_space<vmem>> -> memref<1x128x128xf32, #tpu.memory_space<vmem>>
      %dma_wait3A_192 = tpu.memref_squeeze %dma_wait3A_191 : memref<1x128x128xf32, #tpu.memory_space<vmem>> -> memref<128x128xf32, #tpu.memory_space<vmem>>
      %dma_wait3A_193 = arith.constant 0 : i32
      %dma_wait3A_194 = tpu.memref_slice %arg6[%add3A_105, %dma_wait3A_193] : memref<16384x128xf32, #tpu.memory_space<hbm>> -> memref<128x128xf32, #tpu.memory_space<hbm>>
      %dma_wait3A_195 = arith.constant 0 : i32
      %dma_wait3A_196 = tpu.memref_slice %arg6[%add3A_105, %dma_wait3A_195] : memref<16384x128xf32, #tpu.memory_space<hbm>> -> memref<128x128xf32, #tpu.memory_space<hbm>>
      %dma_wait3A_197 = arith.constant 0 : i32
      %dma_wait3A_198 = arith.constant 0 : i32
      %dma_wait3A_199 = tpu.memref_slice %arg9[%run_scoped3A_107, %dma_wait3A_197, %dma_wait3A_198] : memref<2x128x128xf32, #tpu.memory_space<vmem>> -> memref<1x128x128xf32, #tpu.memory_space<vmem>>
      %dma_wait3A_200 = tpu.memref_squeeze %dma_wait3A_199 : memref<1x128x128xf32, #tpu.memory_space<vmem>> -> memref<128x128xf32, #tpu.memory_space<vmem>>
      tpu.wait_dma2 semaphore(%run_scoped3A_176 : memref<!tpu.dma_semaphore, #tpu.memory_space<semaphore_mem>>) src(%dma_wait3A_200 : memref<128x128xf32, #tpu.memory_space<vmem>>) dst(%dma_wait3A_196 : memref<128x128xf32, #tpu.memory_space<hbm>>)
      tpu.yield
    }) : () -> ()
    %dma_start3A_108 = arith.constant 1 : i32
    %dma_start3A_109 = arith.constant 0 : i32
    %dma_start3A_110 = arith.constant 0 : i32
    %dma_start3A_111 = tpu.memref_slice %arg8[%dma_start3A_108, %dma_start3A_109, %dma_start3A_110] : memref<2x128x128xf32, #tpu.memory_space<vmem>> -> memref<1x128x128xf32, #tpu.memory_space<vmem>>
    %dma_start3A_112 = tpu.memref_squeeze %dma_start3A_111 : memref<1x128x128xf32, #tpu.memory_space<vmem>> -> memref<128x128xf32, #tpu.memory_space<vmem>>
    %dma_start3A_113 = arith.constant 384 : i32
    %dma_start3A_114 = tpu.memref_slice %arg7[%dma_start3A_113] : memref<512xi32, #tpu.memory_space<vmem>> -> memref<128xi32, #tpu.memory_space<vmem>>
    %dma_start3A_115 = arith.constant 0 : i32
    %dma_start3A_116 = arith.constant 0 : i32
    %dma_start3A_117 = tpu.memref_slice %arg2[%dma_start3A_115, %dma_start3A_116] : memref<390625x128xf32, #tpu.memory_space<hbm>> -> memref<390625x128xf32, #tpu.memory_space<hbm>>
    tpu.enqueue_indirect_dma source(%dma_start3A_117 : memref<390625x128xf32, #tpu.memory_space<hbm>>) target(%dma_start3A_112 : memref<128x128xf32, #tpu.memory_space<vmem>>) offsets(%dma_start3A_114 : memref<128xi32, #tpu.memory_space<vmem>>) semaphore(%arg10 : memref<!tpu.dma_semaphore, #tpu.memory_space<semaphore_mem>>)
    %dma_start3A_118 = arith.constant 1 : i32
    %dma_start3A_119 = arith.constant 0 : i32
    %dma_start3A_120 = arith.constant 0 : i32
    %dma_start3A_121 = tpu.memref_slice %arg9[%dma_start3A_118, %dma_start3A_119, %dma_start3A_120] : memref<2x128x128xf32, #tpu.memory_space<vmem>> -> memref<1x128x128xf32, #tpu.memory_space<vmem>>
    %dma_start3A_122 = tpu.memref_squeeze %dma_start3A_121 : memref<1x128x128xf32, #tpu.memory_space<vmem>> -> memref<128x128xf32, #tpu.memory_space<vmem>>
    %dma_start3A_123 = arith.constant 384 : i32
    %dma_start3A_124 = tpu.memref_slice %arg7[%dma_start3A_123] : memref<512xi32, #tpu.memory_space<vmem>> -> memref<128xi32, #tpu.memory_space<vmem>>
    %dma_start3A_125 = arith.constant 0 : i32
    %dma_start3A_126 = arith.constant 0 : i32
    %dma_start3A_127 = tpu.memref_slice %arg3[%dma_start3A_125, %dma_start3A_126] : memref<390625x128xf32, #tpu.memory_space<hbm>> -> memref<390625x128xf32, #tpu.memory_space<hbm>>
    tpu.enqueue_indirect_dma source(%dma_start3A_127 : memref<390625x128xf32, #tpu.memory_space<hbm>>) target(%dma_start3A_122 : memref<128x128xf32, #tpu.memory_space<vmem>>) offsets(%dma_start3A_124 : memref<128xi32, #tpu.memory_space<vmem>>) semaphore(%arg10 : memref<!tpu.dma_semaphore, #tpu.memory_space<semaphore_mem>>)
    %dma_wait3A_128 = arith.constant 0 : i32
    %dma_wait3A_129 = arith.constant 0 : i32
    %dma_wait3A_130 = arith.constant 0 : i32
    %dma_wait3A_131 = tpu.memref_slice %arg8[%dma_wait3A_128, %dma_wait3A_129, %dma_wait3A_130] : memref<2x128x128xf32, #tpu.memory_space<vmem>> -> memref<1x128x128xf32, #tpu.memory_space<vmem>>
    %dma_wait3A_132 = tpu.memref_squeeze %dma_wait3A_131 : memref<1x128x128xf32, #tpu.memory_space<vmem>> -> memref<128x128xf32, #tpu.memory_space<vmem>>
    %dma_wait3A_133 = arith.constant 256 : i32
    %dma_wait3A_134 = tpu.memref_slice %arg7[%dma_wait3A_133] : memref<512xi32, #tpu.memory_space<vmem>> -> memref<128xi32, #tpu.memory_space<vmem>>
    %dma_wait3A_135 = arith.constant 0 : i32
    %dma_wait3A_136 = arith.constant 0 : i32
    %dma_wait3A_137 = tpu.memref_slice %arg2[%dma_wait3A_135, %dma_wait3A_136] : memref<390625x128xf32, #tpu.memory_space<hbm>> -> memref<390625x128xf32, #tpu.memory_space<hbm>>
    tpu.wait_indirect_dma semaphore(%arg10 : memref<!tpu.dma_semaphore, #tpu.memory_space<semaphore_mem>>) src(%dma_wait3A_137 : memref<390625x128xf32, #tpu.memory_space<hbm>>) dst(%dma_wait3A_132 : memref<128x128xf32, #tpu.memory_space<vmem>>)
    %dma_wait3A_138 = arith.constant 0 : i32
    %dma_wait3A_139 = arith.constant 0 : i32
    %dma_wait3A_140 = arith.constant 0 : i32
    %dma_wait3A_141 = tpu.memref_slice %arg9[%dma_wait3A_138, %dma_wait3A_139, %dma_wait3A_140] : memref<2x128x128xf32, #tpu.memory_space<vmem>> -> memref<1x128x128xf32, #tpu.memory_space<vmem>>
    %dma_wait3A_142 = tpu.memref_squeeze %dma_wait3A_141 : memref<1x128x128xf32, #tpu.memory_space<vmem>> -> memref<128x128xf32, #tpu.memory_space<vmem>>
    %dma_wait3A_143 = arith.constant 256 : i32
    %dma_wait3A_144 = tpu.memref_slice %arg7[%dma_wait3A_143] : memref<512xi32, #tpu.memory_space<vmem>> -> memref<128xi32, #tpu.memory_space<vmem>>
    %dma_wait3A_145 = arith.constant 0 : i32
    %dma_wait3A_146 = arith.constant 0 : i32
    %dma_wait3A_147 = tpu.memref_slice %arg3[%dma_wait3A_145, %dma_wait3A_146] : memref<390625x128xf32, #tpu.memory_space<hbm>> -> memref<390625x128xf32, #tpu.memory_space<hbm>>
    tpu.wait_indirect_dma semaphore(%arg10 : memref<!tpu.dma_semaphore, #tpu.memory_space<semaphore_mem>>) src(%dma_wait3A_147 : memref<390625x128xf32, #tpu.memory_space<hbm>>) dst(%dma_wait3A_142 : memref<128x128xf32, #tpu.memory_space<vmem>>)
    %add3A_148 = arith.constant 256 : i32
    %add3A_149 = arith.addi %mul3A_2, %add3A_148 : i32
    %run_scoped3A_150 = arith.constant 0 : i32
    "tpu.region"() ({
      %run_scoped3A_176 = tpu.sem_alloc : memref<!tpu.dma_semaphore, #tpu.memory_space<semaphore_mem>>
      %dma_start3A_177 = arith.constant 0 : i32
      %dma_start3A_178 = arith.constant 0 : i32
      %dma_start3A_179 = tpu.memref_slice %arg8[%run_scoped3A_150, %dma_start3A_177, %dma_start3A_178] : memref<2x128x128xf32, #tpu.memory_space<vmem>> -> memref<1x128x128xf32, #tpu.memory_space<vmem>>
      %dma_start3A_180 = tpu.memref_squeeze %dma_start3A_179 : memref<1x128x128xf32, #tpu.memory_space<vmem>> -> memref<128x128xf32, #tpu.memory_space<vmem>>
      %dma_start3A_181 = arith.constant 0 : i32
      %dma_start3A_182 = tpu.memref_slice %arg5[%add3A_149, %dma_start3A_181] : memref<16384x128xf32, #tpu.memory_space<hbm>> -> memref<128x128xf32, #tpu.memory_space<hbm>>
      %dma_start3A_183 = arith.constant 0 : i32
      %dma_start3A_184 = tpu.memref_slice %arg5[%add3A_149, %dma_start3A_183] : memref<16384x128xf32, #tpu.memory_space<hbm>> -> memref<128x128xf32, #tpu.memory_space<hbm>>
      %dma_start3A_185 = arith.constant 0 : i32
      %dma_start3A_186 = arith.constant 0 : i32
      %dma_start3A_187 = tpu.memref_slice %arg8[%run_scoped3A_150, %dma_start3A_185, %dma_start3A_186] : memref<2x128x128xf32, #tpu.memory_space<vmem>> -> memref<1x128x128xf32, #tpu.memory_space<vmem>>
      %dma_start3A_188 = tpu.memref_squeeze %dma_start3A_187 : memref<1x128x128xf32, #tpu.memory_space<vmem>> -> memref<128x128xf32, #tpu.memory_space<vmem>>
      tpu.enqueue_dma source(%dma_start3A_188 : memref<128x128xf32, #tpu.memory_space<vmem>>) target(%dma_start3A_184 : memref<128x128xf32, #tpu.memory_space<hbm>>) target_semaphore(%run_scoped3A_176 : memref<!tpu.dma_semaphore, #tpu.memory_space<semaphore_mem>>)
      %dma_wait3A_189 = arith.constant 0 : i32
      %dma_wait3A_190 = arith.constant 0 : i32
      %dma_wait3A_191 = tpu.memref_slice %arg8[%run_scoped3A_150, %dma_wait3A_189, %dma_wait3A_190] : memref<2x128x128xf32, #tpu.memory_space<vmem>> -> memref<1x128x128xf32, #tpu.memory_space<vmem>>
      %dma_wait3A_192 = tpu.memref_squeeze %dma_wait3A_191 : memref<1x128x128xf32, #tpu.memory_space<vmem>> -> memref<128x128xf32, #tpu.memory_space<vmem>>
      %dma_wait3A_193 = arith.constant 0 : i32
      %dma_wait3A_194 = tpu.memref_slice %arg5[%add3A_149, %dma_wait3A_193] : memref<16384x128xf32, #tpu.memory_space<hbm>> -> memref<128x128xf32, #tpu.memory_space<hbm>>
      %dma_wait3A_195 = arith.constant 0 : i32
      %dma_wait3A_196 = tpu.memref_slice %arg5[%add3A_149, %dma_wait3A_195] : memref<16384x128xf32, #tpu.memory_space<hbm>> -> memref<128x128xf32, #tpu.memory_space<hbm>>
      %dma_wait3A_197 = arith.constant 0 : i32
      %dma_wait3A_198 = arith.constant 0 : i32
      %dma_wait3A_199 = tpu.memref_slice %arg8[%run_scoped3A_150, %dma_wait3A_197, %dma_wait3A_198] : memref<2x128x128xf32, #tpu.memory_space<vmem>> -> memref<1x128x128xf32, #tpu.memory_space<vmem>>
      %dma_wait3A_200 = tpu.memref_squeeze %dma_wait3A_199 : memref<1x128x128xf32, #tpu.memory_space<vmem>> -> memref<128x128xf32, #tpu.memory_space<vmem>>
      tpu.wait_dma2 semaphore(%run_scoped3A_176 : memref<!tpu.dma_semaphore, #tpu.memory_space<semaphore_mem>>) src(%dma_wait3A_200 : memref<128x128xf32, #tpu.memory_space<vmem>>) dst(%dma_wait3A_196 : memref<128x128xf32, #tpu.memory_space<hbm>>)
      tpu.yield
    }) : () -> ()
    %run_scoped3A_151 = arith.constant 0 : i32
    "tpu.region"() ({
      %run_scoped3A_176 = tpu.sem_alloc : memref<!tpu.dma_semaphore, #tpu.memory_space<semaphore_mem>>
      %dma_start3A_177 = arith.constant 0 : i32
      %dma_start3A_178 = arith.constant 0 : i32
      %dma_start3A_179 = tpu.memref_slice %arg9[%run_scoped3A_151, %dma_start3A_177, %dma_start3A_178] : memref<2x128x128xf32, #tpu.memory_space<vmem>> -> memref<1x128x128xf32, #tpu.memory_space<vmem>>
      %dma_start3A_180 = tpu.memref_squeeze %dma_start3A_179 : memref<1x128x128xf32, #tpu.memory_space<vmem>> -> memref<128x128xf32, #tpu.memory_space<vmem>>
      %dma_start3A_181 = arith.constant 0 : i32
      %dma_start3A_182 = tpu.memref_slice %arg6[%add3A_149, %dma_start3A_181] : memref<16384x128xf32, #tpu.memory_space<hbm>> -> memref<128x128xf32, #tpu.memory_space<hbm>>
      %dma_start3A_183 = arith.constant 0 : i32
      %dma_start3A_184 = tpu.memref_slice %arg6[%add3A_149, %dma_start3A_183] : memref<16384x128xf32, #tpu.memory_space<hbm>> -> memref<128x128xf32, #tpu.memory_space<hbm>>
      %dma_start3A_185 = arith.constant 0 : i32
      %dma_start3A_186 = arith.constant 0 : i32
      %dma_start3A_187 = tpu.memref_slice %arg9[%run_scoped3A_151, %dma_start3A_185, %dma_start3A_186] : memref<2x128x128xf32, #tpu.memory_space<vmem>> -> memref<1x128x128xf32, #tpu.memory_space<vmem>>
      %dma_start3A_188 = tpu.memref_squeeze %dma_start3A_187 : memref<1x128x128xf32, #tpu.memory_space<vmem>> -> memref<128x128xf32, #tpu.memory_space<vmem>>
      tpu.enqueue_dma source(%dma_start3A_188 : memref<128x128xf32, #tpu.memory_space<vmem>>) target(%dma_start3A_184 : memref<128x128xf32, #tpu.memory_space<hbm>>) target_semaphore(%run_scoped3A_176 : memref<!tpu.dma_semaphore, #tpu.memory_space<semaphore_mem>>)
      %dma_wait3A_189 = arith.constant 0 : i32
      %dma_wait3A_190 = arith.constant 0 : i32
      %dma_wait3A_191 = tpu.memref_slice %arg9[%run_scoped3A_151, %dma_wait3A_189, %dma_wait3A_190] : memref<2x128x128xf32, #tpu.memory_space<vmem>> -> memref<1x128x128xf32, #tpu.memory_space<vmem>>
      %dma_wait3A_192 = tpu.memref_squeeze %dma_wait3A_191 : memref<1x128x128xf32, #tpu.memory_space<vmem>> -> memref<128x128xf32, #tpu.memory_space<vmem>>
      %dma_wait3A_193 = arith.constant 0 : i32
      %dma_wait3A_194 = tpu.memref_slice %arg6[%add3A_149, %dma_wait3A_193] : memref<16384x128xf32, #tpu.memory_space<hbm>> -> memref<128x128xf32, #tpu.memory_space<hbm>>
      %dma_wait3A_195 = arith.constant 0 : i32
      %dma_wait3A_196 = tpu.memref_slice %arg6[%add3A_149, %dma_wait3A_195] : memref<16384x128xf32, #tpu.memory_space<hbm>> -> memref<128x128xf32, #tpu.memory_space<hbm>>
      %dma_wait3A_197 = arith.constant 0 : i32
      %dma_wait3A_198 = arith.constant 0 : i32
      %dma_wait3A_199 = tpu.memref_slice %arg9[%run_scoped3A_151, %dma_wait3A_197, %dma_wait3A_198] : memref<2x128x128xf32, #tpu.memory_space<vmem>> -> memref<1x128x128xf32, #tpu.memory_space<vmem>>
      %dma_wait3A_200 = tpu.memref_squeeze %dma_wait3A_199 : memref<1x128x128xf32, #tpu.memory_space<vmem>> -> memref<128x128xf32, #tpu.memory_space<vmem>>
      tpu.wait_dma2 semaphore(%run_scoped3A_176 : memref<!tpu.dma_semaphore, #tpu.memory_space<semaphore_mem>>) src(%dma_wait3A_200 : memref<128x128xf32, #tpu.memory_space<vmem>>) dst(%dma_wait3A_196 : memref<128x128xf32, #tpu.memory_space<hbm>>)
      tpu.yield
    }) : () -> ()
    %dma_wait3A_152 = arith.constant 1 : i32
    %dma_wait3A_153 = arith.constant 0 : i32
    %dma_wait3A_154 = arith.constant 0 : i32
    %dma_wait3A_155 = tpu.memref_slice %arg8[%dma_wait3A_152, %dma_wait3A_153, %dma_wait3A_154] : memref<2x128x128xf32, #tpu.memory_space<vmem>> -> memref<1x128x128xf32, #tpu.memory_space<vmem>>
    %dma_wait3A_156 = tpu.memref_squeeze %dma_wait3A_155 : memref<1x128x128xf32, #tpu.memory_space<vmem>> -> memref<128x128xf32, #tpu.memory_space<vmem>>
    %dma_wait3A_157 = arith.constant 384 : i32
    %dma_wait3A_158 = tpu.memref_slice %arg7[%dma_wait3A_157] : memref<512xi32, #tpu.memory_space<vmem>> -> memref<128xi32, #tpu.memory_space<vmem>>
    %dma_wait3A_159 = arith.constant 0 : i32
    %dma_wait3A_160 = arith.constant 0 : i32
    %dma_wait3A_161 = tpu.memref_slice %arg2[%dma_wait3A_159, %dma_wait3A_160] : memref<390625x128xf32, #tpu.memory_space<hbm>> -> memref<390625x128xf32, #tpu.memory_space<hbm>>
    tpu.wait_indirect_dma semaphore(%arg10 : memref<!tpu.dma_semaphore, #tpu.memory_space<semaphore_mem>>) src(%dma_wait3A_161 : memref<390625x128xf32, #tpu.memory_space<hbm>>) dst(%dma_wait3A_156 : memref<128x128xf32, #tpu.memory_space<vmem>>)
    %dma_wait3A_162 = arith.constant 1 : i32
    %dma_wait3A_163 = arith.constant 0 : i32
    %dma_wait3A_164 = arith.constant 0 : i32
    %dma_wait3A_165 = tpu.memref_slice %arg9[%dma_wait3A_162, %dma_wait3A_163, %dma_wait3A_164] : memref<2x128x128xf32, #tpu.memory_space<vmem>> -> memref<1x128x128xf32, #tpu.memory_space<vmem>>
    %dma_wait3A_166 = tpu.memref_squeeze %dma_wait3A_165 : memref<1x128x128xf32, #tpu.memory_space<vmem>> -> memref<128x128xf32, #tpu.memory_space<vmem>>
    %dma_wait3A_167 = arith.constant 384 : i32
    %dma_wait3A_168 = tpu.memref_slice %arg7[%dma_wait3A_167] : memref<512xi32, #tpu.memory_space<vmem>> -> memref<128xi32, #tpu.memory_space<vmem>>
    %dma_wait3A_169 = arith.constant 0 : i32
    %dma_wait3A_170 = arith.constant 0 : i32
    %dma_wait3A_171 = tpu.memref_slice %arg3[%dma_wait3A_169, %dma_wait3A_170] : memref<390625x128xf32, #tpu.memory_space<hbm>> -> memref<390625x128xf32, #tpu.memory_space<hbm>>
    tpu.wait_indirect_dma semaphore(%arg10 : memref<!tpu.dma_semaphore, #tpu.memory_space<semaphore_mem>>) src(%dma_wait3A_171 : memref<390625x128xf32, #tpu.memory_space<hbm>>) dst(%dma_wait3A_166 : memref<128x128xf32, #tpu.memory_space<vmem>>)
    %add3A_172 = arith.constant 384 : i32
    %add3A_173 = arith.addi %mul3A_2, %add3A_172 : i32
    %run_scoped3A_174 = arith.constant 1 : i32
    "tpu.region"() ({
      %run_scoped3A_176 = tpu.sem_alloc : memref<!tpu.dma_semaphore, #tpu.memory_space<semaphore_mem>>
      %dma_start3A_177 = arith.constant 0 : i32
      %dma_start3A_178 = arith.constant 0 : i32
      %dma_start3A_179 = tpu.memref_slice %arg8[%run_scoped3A_174, %dma_start3A_177, %dma_start3A_178] : memref<2x128x128xf32, #tpu.memory_space<vmem>> -> memref<1x128x128xf32, #tpu.memory_space<vmem>>
      %dma_start3A_180 = tpu.memref_squeeze %dma_start3A_179 : memref<1x128x128xf32, #tpu.memory_space<vmem>> -> memref<128x128xf32, #tpu.memory_space<vmem>>
      %dma_start3A_181 = arith.constant 0 : i32
      %dma_start3A_182 = tpu.memref_slice %arg5[%add3A_173, %dma_start3A_181] : memref<16384x128xf32, #tpu.memory_space<hbm>> -> memref<128x128xf32, #tpu.memory_space<hbm>>
      %dma_start3A_183 = arith.constant 0 : i32
      %dma_start3A_184 = tpu.memref_slice %arg5[%add3A_173, %dma_start3A_183] : memref<16384x128xf32, #tpu.memory_space<hbm>> -> memref<128x128xf32, #tpu.memory_space<hbm>>
      %dma_start3A_185 = arith.constant 0 : i32
      %dma_start3A_186 = arith.constant 0 : i32
      %dma_start3A_187 = tpu.memref_slice %arg8[%run_scoped3A_174, %dma_start3A_185, %dma_start3A_186] : memref<2x128x128xf32, #tpu.memory_space<vmem>> -> memref<1x128x128xf32, #tpu.memory_space<vmem>>
      %dma_start3A_188 = tpu.memref_squeeze %dma_start3A_187 : memref<1x128x128xf32, #tpu.memory_space<vmem>> -> memref<128x128xf32, #tpu.memory_space<vmem>>
      tpu.enqueue_dma source(%dma_start3A_188 : memref<128x128xf32, #tpu.memory_space<vmem>>) target(%dma_start3A_184 : memref<128x128xf32, #tpu.memory_space<hbm>>) target_semaphore(%run_scoped3A_176 : memref<!tpu.dma_semaphore, #tpu.memory_space<semaphore_mem>>)
      %dma_wait3A_189 = arith.constant 0 : i32
      %dma_wait3A_190 = arith.constant 0 : i32
      %dma_wait3A_191 = tpu.memref_slice %arg8[%run_scoped3A_174, %dma_wait3A_189, %dma_wait3A_190] : memref<2x128x128xf32, #tpu.memory_space<vmem>> -> memref<1x128x128xf32, #tpu.memory_space<vmem>>
      %dma_wait3A_192 = tpu.memref_squeeze %dma_wait3A_191 : memref<1x128x128xf32, #tpu.memory_space<vmem>> -> memref<128x128xf32, #tpu.memory_space<vmem>>
      %dma_wait3A_193 = arith.constant 0 : i32
      %dma_wait3A_194 = tpu.memref_slice %arg5[%add3A_173, %dma_wait3A_193] : memref<16384x128xf32, #tpu.memory_space<hbm>> -> memref<128x128xf32, #tpu.memory_space<hbm>>
      %dma_wait3A_195 = arith.constant 0 : i32
      %dma_wait3A_196 = tpu.memref_slice %arg5[%add3A_173, %dma_wait3A_195] : memref<16384x128xf32, #tpu.memory_space<hbm>> -> memref<128x128xf32, #tpu.memory_space<hbm>>
      %dma_wait3A_197 = arith.constant 0 : i32
      %dma_wait3A_198 = arith.constant 0 : i32
      %dma_wait3A_199 = tpu.memref_slice %arg8[%run_scoped3A_174, %dma_wait3A_197, %dma_wait3A_198] : memref<2x128x128xf32, #tpu.memory_space<vmem>> -> memref<1x128x128xf32, #tpu.memory_space<vmem>>
      %dma_wait3A_200 = tpu.memref_squeeze %dma_wait3A_199 : memref<1x128x128xf32, #tpu.memory_space<vmem>> -> memref<128x128xf32, #tpu.memory_space<vmem>>
      tpu.wait_dma2 semaphore(%run_scoped3A_176 : memref<!tpu.dma_semaphore, #tpu.memory_space<semaphore_mem>>) src(%dma_wait3A_200 : memref<128x128xf32, #tpu.memory_space<vmem>>) dst(%dma_wait3A_196 : memref<128x128xf32, #tpu.memory_space<hbm>>)
      tpu.yield
    }) : () -> ()
    %run_scoped3A_175 = arith.constant 1 : i32
    "tpu.region"() ({
      %run_scoped3A_176 = tpu.sem_alloc : memref<!tpu.dma_semaphore, #tpu.memory_space<semaphore_mem>>
      %dma_start3A_177 = arith.constant 0 : i32
      %dma_start3A_178 = arith.constant 0 : i32
      %dma_start3A_179 = tpu.memref_slice %arg9[%run_scoped3A_175, %dma_start3A_177, %dma_start3A_178] : memref<2x128x128xf32, #tpu.memory_space<vmem>> -> memref<1x128x128xf32, #tpu.memory_space<vmem>>
      %dma_start3A_180 = tpu.memref_squeeze %dma_start3A_179 : memref<1x128x128xf32, #tpu.memory_space<vmem>> -> memref<128x128xf32, #tpu.memory_space<vmem>>
      %dma_start3A_181 = arith.constant 0 : i32
      %dma_start3A_182 = tpu.memref_slice %arg6[%add3A_173, %dma_start3A_181] : memref<16384x128xf32, #tpu.memory_space<hbm>> -> memref<128x128xf32, #tpu.memory_space<hbm>>
      %dma_start3A_183 = arith.constant 0 : i32
      %dma_start3A_184 = tpu.memref_slice %arg6[%add3A_173, %dma_start3A_183] : memref<16384x128xf32, #tpu.memory_space<hbm>> -> memref<128x128xf32, #tpu.memory_space<hbm>>
      %dma_start3A_185 = arith.constant 0 : i32
      %dma_start3A_186 = arith.constant 0 : i32
      %dma_start3A_187 = tpu.memref_slice %arg9[%run_scoped3A_175, %dma_start3A_185, %dma_start3A_186] : memref<2x128x128xf32, #tpu.memory_space<vmem>> -> memref<1x128x128xf32, #tpu.memory_space<vmem>>
      %dma_start3A_188 = tpu.memref_squeeze %dma_start3A_187 : memref<1x128x128xf32, #tpu.memory_space<vmem>> -> memref<128x128xf32, #tpu.memory_space<vmem>>
      tpu.enqueue_dma source(%dma_start3A_188 : memref<128x128xf32, #tpu.memory_space<vmem>>) target(%dma_start3A_184 : memref<128x128xf32, #tpu.memory_space<hbm>>) target_semaphore(%run_scoped3A_176 : memref<!tpu.dma_semaphore, #tpu.memory_space<semaphore_mem>>)
      %dma_wait3A_189 = arith.constant 0 : i32
      %dma_wait3A_190 = arith.constant 0 : i32
      %dma_wait3A_191 = tpu.memref_slice %arg9[%run_scoped3A_175, %dma_wait3A_189, %dma_wait3A_190] : memref<2x128x128xf32, #tpu.memory_space<vmem>> -> memref<1x128x128xf32, #tpu.memory_space<vmem>>
      %dma_wait3A_192 = tpu.memref_squeeze %dma_wait3A_191 : memref<1x128x128xf32, #tpu.memory_space<vmem>> -> memref<128x128xf32, #tpu.memory_space<vmem>>
      %dma_wait3A_193 = arith.constant 0 : i32
      %dma_wait3A_194 = tpu.memref_slice %arg6[%add3A_173, %dma_wait3A_193] : memref<16384x128xf32, #tpu.memory_space<hbm>> -> memref<128x128xf32, #tpu.memory_space<hbm>>
      %dma_wait3A_195 = arith.constant 0 : i32
      %dma_wait3A_196 = tpu.memref_slice %arg6[%add3A_173, %dma_wait3A_195] : memref<16384x128xf32, #tpu.memory_space<hbm>> -> memref<128x128xf32, #tpu.memory_space<hbm>>
      %dma_wait3A_197 = arith.constant 0 : i32
      %dma_wait3A_198 = arith.constant 0 : i32
      %dma_wait3A_199 = tpu.memref_slice %arg9[%run_scoped3A_175, %dma_wait3A_197, %dma_wait3A_198] : memref<2x128x128xf32, #tpu.memory_space<vmem>> -> memref<1x128x128xf32, #tpu.memory_space<vmem>>
      %dma_wait3A_200 = tpu.memref_squeeze %dma_wait3A_199 : memref<1x128x128xf32, #tpu.memory_space<vmem>> -> memref<128x128xf32, #tpu.memory_space<vmem>>
      tpu.wait_dma2 semaphore(%run_scoped3A_176 : memref<!tpu.dma_semaphore, #tpu.memory_space<semaphore_mem>>) src(%dma_wait3A_200 : memref<128x128xf32, #tpu.memory_space<vmem>>) dst(%dma_wait3A_196 : memref<128x128xf32, #tpu.memory_space<hbm>>)
      tpu.yield
    }) : () -> ()
    return
  }
}

</mosaic_0001>

<sc_bundles>
// kernel: kernel.3.cloned.1.call-start
scs
__scs_entry_jumppad:
0x0: {  	(pc) =	sbr.rel $0x88, $3  }
0x1: {  	(tag) =	ssettag $0x0;
	lr =	simm.s32 $0x1  }
0x2: {  	[smem:$0x3F9F] =	sst lr;
	_ =	strace $0xD0000000  }
0x3: {  	_ = 	snop  }
0x4: {  	_ = 	snop  }
0x5: {  	_ = 	snop  }
0x6: {  	_ = 	snop  }
0x7: {  	_ = 	snop  }
__scs_overlays_trampoline_lowered:
0x8: {  	[smem:$0x3FAE] =	sst s0  }
0x9: {  	[smem:$0x3FAF] =	sst s1  }
0xa: {  	[smem:$0x3FB0] =	sst s2  }
0xb: {  	[smem:$0x3FB1] =	sst s3  }
0xc: {  	[smem:$0x3FB2] =	sst s4  }
0xd: {  	[smem:$0x3FB3] =	sst s5  }
0xe: {  	[smem:$0x3FB4] =	sst s6  }
0xf: {  	[smem:$0x3FB5] =	sst s7  }
0x10: {  	[smem:$0x3FB6] =	sst s8  }
0x11: {  	[smem:$0x3FB7] =	sst s9;
	s0 =	simm.s32 @!p0 $0x0  }
0x12: {  	s1 =	sld [smem:$0x3F9D];
	s0 =	simm.s32 @p0 $0x1  }
0x13: {  	[smem:$0x3FB8] =	sst s0;
	s0 =	simm.s32 @!p1 $0x0  }
0x14: {  	s2 =	sld [smem:$0x3F9C];
	s0 =	simm.s32 @p1 $0x1  }
0x15: {  	[smem:$0x3FB9] =	sst s0;
	s0 =	simm.s32 @!p2 $0x0  }
0x16: {  	s3 =	sld [smem:$0x3FDB];
	s0 =	simm.s32 @p2 $0x1  }
0x17: {  	s4 =	simm.s32 $0x1BF5;
	[smem:$0x3FBB] =	sst s0  }
0x18: {  	s0 =	sld [smem:$0x3F9E];
	_ =	swait.ge [sflag:s4], $0x0  }
0x19: {  	s7 =	sld [smem:$0x3F9F]  }
0x1a: {  	s8 =	sadd.s32 $0xFFFFE003, lr  }
0x1b: {  	s9 =	sadd.s32 $0xFFFFFEF7, lr;
	s5 =	simm.s32 $0xFFFFFFFF;
	p2 =	slt.u32 s8, $0xFFFFF086  }
0x1c: {  	p1 =	slt.u32 s9, $0xF7A;
	s5 =	simm.s32 @!p2 $0x0  }
0x1d: {  	s5 =	simm.s32 @p1 $0x1;
	p0 =	seq.s32 s7, s2  }
0x1e: {  	s7 =	smul.u32 @!p0 $0xF7A, s2;
	p2 =	seq.s32 @!p0 s5, $0x0  }
0x1f: {  	s9 =	smul.u32 $0xF7A, s1;
	s8 =	simm.s32 @!p0 $0x1BF5;
	p2 =	por !p2, p0  }
0x20: {  	[sflag:s8] =	ssyncset.s32 @!p0 $0xFFFFF086;
	s6 =	sadd.s32 @!p0 s3, s7;
	s7 =	simm.s32 @!p0 $0x108  }
0x21: {  	s3 =	sadd.s32 s3, s9;
	s6 =	sadd.s32 @!p0 $0x88, s6;
	s7 =	simm.s32 @p2 $0x1082  }
0x22: {  	[simem:s7], [sflag:s8] =	dma.local @!p0 [hbm:s6], $0xF7A  }
0x23: {  	s9 =	sor.u32 $0xD0000000, s2;
	s6 =	simm.s32 $0x108;
	_ =	swait.ge @!p0 [sflag:s8], $0x0  }
0x24: {  	s3 =	sadd.s32 $0x88, s3;
	s6 =	simm.s32 @!p1 $0x1082;
	[sflag:s4] =	ssyncset.s32 $0xFFFFF086  }
0x25: {  	[simem:s6], [sflag:s4] =	dma.local [hbm:s3], $0xF7A  }
0x26: {  	[smem:$0x3F9F] =	sst s1;
	(tag) =	ssettag s2;
	_ =	strace s9  }
0x27: {  	s1 =	sld [smem:$0x3FAF]  }
0x28: {  	s2 =	sld [smem:$0x3FB0]  }
0x29: {  	s4 =	sld [smem:$0x3FB2]  }
0x2a: {  	p0 =	seq.s32 s5, $0x0;
	s5 =	sld [smem:$0x3FB3]  }
0x2b: {  	s6 =	sld [smem:$0x3FB4]  }
0x2c: {  	s7 =	sld [smem:$0x3FB5]  }
0x2d: {  	s3 =	simm.s32 $0x108;
	s8 =	sld [smem:$0x3FB6]  }
0x2e: {  	s3 =	simm.s32 @!p0 $0x1082;
	s9 =	sld [smem:$0x3FB7]  }
0x2f: {  	lr =	sadd.s32 s0, s3;
	s0 =	sld [smem:$0x3FAE]  }
0x30: {  	s3 =	sld [smem:$0x3FB1]  }
0x31: {  	[smem:$0x3FBA] =	sst s10  }
0x32: {  	s10 =	sld [smem:$0x3FB8];
	_ =	sdelay $0x3  }
0x33: {  	p0 =	seq.s32 s10, $0x1;
	s10 =	sld [smem:$0x3FBA];
	_ =	sdelay $0x3  }
0x34: {  	[smem:$0x3FBA] =	sst s10  }
0x35: {  	s10 =	sld [smem:$0x3FB9];
	_ =	sdelay $0x3  }
0x36: {  	p1 =	seq.s32 s10, $0x1;
	s10 =	sld [smem:$0x3FBA];
	_ =	sdelay $0x3  }
0x37: {  	[smem:$0x3FBA] =	sst s10  }
0x38: {  	s10 =	sld [smem:$0x3FBB]  }
0x39: {  	_ = 	snop;
	(pc) =	sbr.ind lr, $3  }
0x3a: {  	_ = 	snop  }
0x3b: {  	_ = 	snop  }
0x3c: {  	p2 =	seq.s32 s10, $0x1;
	s10 =	sld [smem:$0x3FBA]  }
0x3d: {  	_ =	shalt  }
0x3e: {  	_ =	shalt  }
0x3f: {  	_ =	shalt  }
0x40: {  	_ =	shalt  }
0x41: {  	_ =	shalt  }
0x42: {  	_ =	shalt  }
0x43: {  	_ =	shalt  }
0x44: {  	_ =	shalt  }
0x45: {  	_ =	shalt  }
0x46: {  	_ =	shalt  }
0x47: {  	_ =	shalt  }
0x48: {  	_ =	shalt  }
0x49: {  	_ =	shalt  }
0x4a: {  	_ =	shalt  }
0x4b: {  	_ =	shalt  }
0x4c: {  	_ =	shalt  }
0x4d: {  	_ =	shalt  }
0x4e: {  	_ =	shalt  }
0x4f: {  	_ =	shalt  }
0x50: {  	_ =	shalt  }
0x51: {  	_ =	shalt  }
0x52: {  	_ =	shalt  }
0x53: {  	_ =	shalt  }
0x54: {  	_ =	shalt  }
0x55: {  	_ =	shalt  }
0x56: {  	_ =	shalt  }
0x57: {  	_ =	shalt  }
0x58: {  	_ =	shalt  }
0x59: {  	_ =	shalt  }
0x5a: {  	_ =	shalt  }
0x5b: {  	_ =	shalt  }
0x5c: {  	_ =	shalt  }
0x5d: {  	_ =	shalt  }
0x5e: {  	_ =	shalt  }
0x5f: {  	_ =	shalt  }
0x60: {  	_ =	shalt  }
0x61: {  	_ =	shalt  }
0x62: {  	_ =	shalt  }
0x63: {  	_ =	shalt  }
0x64: {  	_ =	shalt  }
0x65: {  	_ =	shalt  }
0x66: {  	_ =	shalt  }
0x67: {  	_ =	shalt  }
0x68: {  	_ =	shalt  }
0x69: {  	_ =	shalt  }
0x6a: {  	_ =	shalt  }
0x6b: {  	_ =	shalt  }
0x6c: {  	_ =	shalt  }
0x6d: {  	_ =	shalt  }
0x6e: {  	_ =	shalt  }
0x6f: {  	_ =	shalt  }
0x70: {  	_ =	shalt  }
0x71: {  	_ =	shalt  }
0x72: {  	_ =	shalt  }
0x73: {  	_ =	shalt  }
0x74: {  	_ =	shalt  }
0x75: {  	_ =	shalt  }
0x76: {  	_ =	shalt  }
0x77: {  	_ =	shalt  }
0x78: {  	_ =	shalt  }
0x79: {  	_ =	shalt  }
0x7a: {  	_ =	shalt  }
0x7b: {  	_ =	shalt  }
0x7c: {  	_ =	shalt  }
0x7d: {  	_ =	shalt  }
0x7e: {  	_ =	shalt  }
0x7f: {  	_ =	shalt  }
0x80: {  	_ =	shalt  }
0x81: {  	_ =	shalt  }
0x82: {  	_ =	shalt  }
0x83: {  	_ =	shalt  }
0x84: {  	_ =	shalt  }
0x85: {  	_ =	shalt  }
0x86: {  	_ =	shalt  }
0x87: {  	_ =	shalt  }
.Lfunc_end0:
.L_simem_size_0:
called_computation.1_lowered:
.L_overlay_start_0:
0x88: {  	s2 =	sld [smem:$0x3FD9]  }
0x89: {  	s3 =	sld [smem:$0x3FFE];
	_ =	sdelay $0x1  }
0x8a: {  	s1 =	srdreg.scid  }
0x8b: {  	s0 =	sand.u32 $0x1, s1  }
0x8c: {  	s17 =	sshll.u32 s0, $0xA;
	s2 =	sadd.s32 s3, s2  }
0x8d: {  	s2 =	sadd.s32 s2, s17  }
0x8e: {  	[smem:$0x3FC6] =	sst s2  }
0x8f: {  	_ = 	snop  }
0x90: {  	s2 =	sld [smem:$0x3FC9]  }
0x91: {  	s18 =	sld [smem:$0x3FD0];
	(tm) =	ssettm $0x1  }
0x92: {  	s4 =	sld [smem:$0x3FFB];
	_ =	sdelay $0x3  }
0x93: {  	_ =	strace s4  }
0x94: {  	s4 =	sld [smem:$0x3FFC];
	_ =	sdelay $0x3  }
0x95: {  	_ =	strace s4  }
0x96: {  	s4 =	sld [smem:$0x3FFD];
	_ =	sdelay $0x3  }
0x97: {  	_ =	strace s4  }
0x98: {  	_ =	strace $0x8FFFFFFF  }
0x99: {  	s19 =	sld [smem:$0x3FDB];
	_ =	sdelay $0x1  }
0x9a: {  	s5 =	simm.s32 $_scs_section_size  }
0x9b: {  	s6 =	simm.s32 $_size__tile_overlayer_lowered;
	s7 =	simm.s32 $_tile_overlayer_lowered  }
0x9c: {  	s22 =	simm.s32 $0x1BFF;
	s21 =	sshll.u32 s7, $0x1;
	s4 =	sadd.s32 s5, s19  }
0x9d: {  	s8 =	simm.s32 $0x0;
	s20 =	sshll.u32 s6, $0x1;
	s6 =	sadd.s32 s21, s4  }
0x9e: {  	[timem:s8], [sflag:s22] =	dma.local [hbm:s6], s20  }
0x9f: {  	_ =	swait.ge [sflag:s22], s20  }
0xa0: {  	s5 =	ssub.s32 $0x0, s20;
	[sflag:s22] =	ssyncset.done $0x0  }
0xa1: {  	[sflag:s22] =	ssyncadd.s32 s5;
	_ =	sdelay $0x1  }
0xa2: {  	s23 =	simm.s32 $0x1B8B  }
0xa3: {  	_ =	swait.ge [sflag:s23], $0x1  }
0xa4: {  	[sflag:s23] =	ssyncset.done $0x0  }
0xa5: {  	s25 =	simm.s32 $0x1B8E;
	s24 =	sld [smem:$0x3FFE];
	[sflag:s23] =	ssyncadd.s32 $0xFFFFFFFF  }
0xa6: {  	s26 =	simm.s32 $execute0_lowered;
	[smem:$0x3FD2] =	sst s25  }
0xa7: {  	s6 =	sshll.u32 s26, $0x1;
	_ =	strace $0x80000049;
	[dreg:$0x1] =	wrdreg $0xFFFFFFFF  }
0xa8: {  	s28 =	simm.s32 $_size_execute0_lowered;
	s4 =	sadd.s32 s4, s6;
	[dreg:$0x0] =	wrdreg $0x0  }
0xa9: {  	s6 =	sshll.u32 s28, $0x1;
	[dreg:$0x2] =	wrdreg s4  }
0xaa: {  	[dreg:$0x3] =	wrdreg s6  }
0xab: {  	[dreg:$0x4] =	wrdreg $0xC0  }
0xac: {  	_ =	task [dreg:s8], $0x5FFFF  }
0xad: {  	[dreg:$0x1] =	wrdreg $0xFFFFFFFF  }
0xae: {  	[dreg:$0x0] =	wrdreg $0x60  }
0xaf: {  	[dreg:$0x2] =	wrdreg s24  }
0xb0: {  	[dreg:$0x3] =	wrdreg s2  }
0xb1: {  	[dreg:$0x4] =	wrdreg s18  }
0xb2: {  	[dreg:$0x5] =	wrdreg $0x9  }
0xb3: {  	_ =	task.clear_ibuf [dreg:s8], $0x6FFFF;
	_ =	strace $0x90000049  }
0xb4: {  	s29 =	simm.s32 $0x9;
	_ =	strace $0x8000004B  }
0xb5: {  	_ =	swait.ge [sflag:s29], $0x1  }
0xb6: {  	[sflag:s29] =	ssyncadd.s32 $0xFFFFFFFF  }
0xb7: {  	_ =	strace $0x9000004B  }
0xb8: {  	_ =	sfence  }
0xb9: {  	s30 =	sld [smem:$0x0];
	_ =	sdelay $0x2  }
0xba: {  	s31 =	sshll.u32 s1, $0xD;
	s1 =	sshrl.u32 s1, $0x2  }
0xbb: {  	s3 =	sand.u32 $0x4000, s31;
	s1 =	sadd.s32 s1, s30  }
0xbc: {  	s0 =	sor.u32 s3, s0;
	s1 =	sshll.u32 s1, $0x11  }
0xbd: {  	s0 =	sor.u32 s1, s0  }
0xbe: {  	s0 =	sadd.s32 $0x8F2B, s0  }
0xbf: {  	[sflag:s0] =	ssyncadd.remote.s32 $0x1  }
0xc0: {  	_ =	sfence.sel $0xFFFF  }
0xc1: {  	[dreg:$0x0] =	wrdreg $0xFFFFFFFF;
	(pc) =	sbr.abs _section_cstart, $3  }
0xc2: {  	[dreg:$0x1] =	wrdreg $0xFFFFFFFF  }
0xc3: {  	_ =	task.clear_ibuf [dreg:s8], $0x2FFFF;
	_ =	strace $0x9FFFFFFF  }
0xc4: {  	(tm) =	ssettm $0x7FFFFFFF  }
0xc5: {  	_ =	shalt  }
tec
execute0_lowered:
.L_overlay_start_1:
0x0: {  	(tag) =	ssettag $0x1  }
0x1: {  	s14 =	rddreg [dreg:$0x0];
	s1 =	srdreg.scid  }
0x2: {  	s3 =	rddreg [dreg:$0x1];
	s0 =	stileid.u32;
	s22 =	sand.u32 $0x1, s1  }
0x3: {  	s21 =	rddreg [dreg:$0x2];
	s4 =	sshll.u32 s0, $0xA;
	s5 =	sshll.u32 s22, $0x9  }
0x4: {  	s2 =	simm.s32 $0x0;
	s1 =	rddreg [dreg:$0x3];
	s13 =	sor.u32 s5, s4  }
0x5: {  	[smem:$0x7FF] =	sst s2;
	s4 =	sshrl.u32 s13, $0x3  }
0x6: {  	_ =	strace $0x8000004A;
	s4 =	sadd.s32 s3, s4;
	s3 =	simm.s32 $0x2  }
0x7: {  	[tilespmem:s2], [sflag:$0x2] =	stream.linear.gather [hbm4b:s4+s2], $0x200, $0x38;
	[tilespmem:$0x10200] =	vst v63  }
0x8: {  	_ =	swait.ge [sflag:s3], $0x200  }
0x9: {  	s6 =	simm.s32 $0x80;
	[sflag:s3] =	ssyncset.done $0x0  }
0xa: {  	s7 =	simm.s32 $0x200;
	s5 =	sadd.s32 $0xD6A400, s14;
	[sflag:s3] =	ssyncadd.s32 $0xFFFFFE00  }
0xb: {  	[tilespmem:s7], [sflag:$0x1] =	stream.indirect.gather [hbm4b:s5+s6], $0x80, s2, s6, $0xb8;
	[tilespmem:$0x10200] =	vst v63  }
0xc: {  	s9 =	simm.s32 $0x8200;
	s8 =	sadd.s32 $0x774400, s14  }
0xd: {  	[tilespmem:s9], [sflag:$0x1] =	stream.indirect.gather [hbm4b:s8+s6], $0x80, s2, s6, $0xb8;
	[tilespmem:$0x10200] =	vst v63  }
0xe: {  	s10 =	simm.s32 $0x4200  }
0xf: {  	[tilespmem:s10], [sflag:$0x1] =	stream.indirect.gather [hbm4b:s5+s6], $0x80, s6, s6, $0xb8;
	[tilespmem:$0x10200] =	vst v63  }
0x10: {  	s11 =	simm.s32 $0xC200;
	s12 =	simm.s32 $0x1  }
0x11: {  	[tilespmem:s11], [sflag:$0x1] =	stream.indirect.gather [hbm4b:s8+s6], $0x80, s6, s6, $0xb8;
	[tilespmem:$0x10200] =	vst v63  }
0x12: {  	_ =	swait.ge [sflag:s12], $0x4000  }
0x13: {  	[sflag:s12] =	ssyncset.done $0x0  }
0x14: {  	[sflag:s12] =	ssyncadd.s32 $0xFFFFC000  }
0x15: {  	_ =	swait.ge [sflag:s12], $0x4000  }
0x16: {  	s23 =	sshll.u32 s13, $0x4;
	[sflag:s12] =	ssyncset.done $0x0  }
0x17: {  	s13 =	sadd.s32 s21, s23;
	[sflag:s12] =	ssyncadd.s32 $0xFFFFC000  }
0x18: {  	[hbm4b:s13+s2] =	stream.linear.scatter [tilespmem:s7], [sflag:$0x2], $0x4000, $0x38;
	[tilespmem:$0x10200] =	vst v63  }
0x19: {  	_ =	swait.ge [sflag:s3], $0x4000  }
0x1a: {  	s24 =	sadd.s32 $0xC00, s14;
	[sflag:s3] =	ssyncset.done $0x0  }
0x1b: {  	s14 =	sadd.s32 s24, s23;
	[sflag:s3] =	ssyncadd.s32 $0xFFFFC000  }
0x1c: {  	[hbm4b:s14+s2] =	stream.linear.scatter [tilespmem:s9], [sflag:$0x2], $0x4000, $0x38;
	[tilespmem:$0x10200] =	vst v63  }
0x1d: {  	_ =	swait.ge [sflag:s3], $0x4000  }
0x1e: {  	[sflag:s3] =	ssyncset.done $0x0  }
0x1f: {  	s15 =	simm.s32 $0x100;
	[sflag:s3] =	ssyncadd.s32 $0xFFFFC000  }
0x20: {  	[tilespmem:s7], [sflag:$0x1] =	stream.indirect.gather [hbm4b:s5+s6], $0x80, s15, s6, $0xb8;
	[tilespmem:$0x10200] =	vst v63  }
0x21: {  	_ = 	snop  }
0x22: {  	[tilespmem:s9], [sflag:$0x1] =	stream.indirect.gather [hbm4b:s8+s6], $0x80, s15, s6, $0xb8;
	[tilespmem:$0x10200] =	vst v63  }
0x23: {  	_ =	swait.ge [sflag:s12], $0x4000  }
0x24: {  	[sflag:s12] =	ssyncset.done $0x0  }
0x25: {  	[sflag:s12] =	ssyncadd.s32 $0xFFFFC000  }
0x26: {  	_ =	swait.ge [sflag:s12], $0x4000  }
0x27: {  	s17 =	sor.u32 $0x800, s23;
	[sflag:s12] =	ssyncset.done $0x0  }
0x28: {  	s16 =	sadd.s32 s21, s17;
	[sflag:s12] =	ssyncadd.s32 $0xFFFFC000  }
0x29: {  	[hbm4b:s16+s2] =	stream.linear.scatter [tilespmem:s10], [sflag:$0x2], $0x4000, $0x38;
	[tilespmem:$0x10200] =	vst v63  }
0x2a: {  	_ =	swait.ge [sflag:s3], $0x4000  }
0x2b: {  	[sflag:s3] =	ssyncset.done $0x0  }
0x2c: {  	s17 =	sadd.s32 s24, s17;
	[sflag:s3] =	ssyncadd.s32 $0xFFFFC000  }
0x2d: {  	[hbm4b:s17+s2] =	stream.linear.scatter [tilespmem:s11], [sflag:$0x2], $0x4000, $0x38;
	[tilespmem:$0x10200] =	vst v63  }
0x2e: {  	_ =	swait.ge [sflag:s3], $0x4000  }
0x2f: {  	[sflag:s3] =	ssyncset.done $0x0  }
0x30: {  	s18 =	simm.s32 $0x180;
	[sflag:s3] =	ssyncadd.s32 $0xFFFFC000  }
0x31: {  	[tilespmem:s10], [sflag:$0x1] =	stream.indirect.gather [hbm4b:s5+s6], $0x80, s18, s6, $0xb8;
	[tilespmem:$0x10200] =	vst v63  }
0x32: {  	_ = 	snop  }
0x33: {  	[tilespmem:s11], [sflag:$0x1] =	stream.indirect.gather [hbm4b:s8+s6], $0x80, s18, s6, $0xb8;
	[tilespmem:$0x10200] =	vst v63  }
0x34: {  	_ =	swait.ge [sflag:s12], $0x4000  }
0x35: {  	[sflag:s12] =	ssyncset.done $0x0  }
0x36: {  	[sflag:s12] =	ssyncadd.s32 $0xFFFFC000  }
0x37: {  	_ =	swait.ge [sflag:s12], $0x4000  }
0x38: {  	s20 =	sor.u32 $0x1000, s23;
	[sflag:s12] =	ssyncset.done $0x0  }
0x39: {  	s19 =	sadd.s32 s21, s20;
	[sflag:s12] =	ssyncadd.s32 $0xFFFFC000  }
0x3a: {  	[hbm4b:s19+s2] =	stream.linear.scatter [tilespmem:s7], [sflag:$0x2], $0x4000, $0x38;
	[tilespmem:$0x10200] =	vst v63  }
0x3b: {  	_ =	swait.ge [sflag:s3], $0x4000  }
0x3c: {  	[sflag:s3] =	ssyncset.done $0x0  }
0x3d: {  	s20 =	sadd.s32 s24, s20;
	[sflag:s3] =	ssyncadd.s32 $0xFFFFC000  }
0x3e: {  	[hbm4b:s20+s2] =	stream.linear.scatter [tilespmem:s9], [sflag:$0x2], $0x4000, $0x38;
	[tilespmem:$0x10200] =	vst v63  }
0x3f: {  	_ =	swait.ge [sflag:s3], $0x4000  }
0x40: {  	[sflag:s3] =	ssyncset.done $0x0  }
0x41: {  	[sflag:s3] =	ssyncadd.s32 $0xFFFFC000  }
0x42: {  	_ =	swait.ge [sflag:s12], $0x4000  }
0x43: {  	[sflag:s12] =	ssyncset.done $0x0  }
0x44: {  	s22 =	ssub.s32 $0x2, s22;
	[sflag:s12] =	ssyncadd.s32 $0xFFFFC000  }
0x45: {  	s25 =	sshrl.u32 s22, $0x1;
	_ =	swait.ge [sflag:s12], $0x4000  }
0x46: {  	s25 =	ssub.s32 s22, s25;
	s23 =	sor.u32 $0x1800, s23;
	[sflag:s12] =	ssyncset.done $0x0  }
0x47: {  	s31 =	smax.u32 s25, $0x1;
	s21 =	sadd.s32 s21, s23;
	[sflag:s12] =	ssyncadd.s32 $0xFFFFC000  }
0x48: {  	[hbm4b:s21+s2] =	stream.linear.scatter [tilespmem:s10], [sflag:$0x2], $0x4000, $0x38;
	[tilespmem:$0x10200] =	vst v63  }
0x49: {  	p0 =	sne.s32 s31, $0x1;
	_ =	swait.ge [sflag:s3], $0x4000  }
.Ltmp0:
0x4a: {  	[sflag:s3] =	ssyncset.done $0x0;
	(pc) =	sbr.rel @!p0 .LBB2_2-.Ltmp0, $4  }
0x4b: {  	s22 =	sadd.s32 s24, s23;
	[sflag:s3] =	ssyncadd.s32 $0xFFFFC000  }
0x4c: {  	[hbm4b:s22+s2] =	stream.linear.scatter [tilespmem:s11], [sflag:$0x2], $0x4000, $0x38;
	[tilespmem:$0x10200] =	vst v63  }
0x4d: {  	_ =	swait.ge [sflag:s3], $0x4000  }
0x4e: {  	s23 =	sadd.s32 $0xFFFFFFFF, s31;
	[sflag:s3] =	ssyncset.done $0x0  }
.LBB2_1:
0x4f: {  	p0 =	sne.s32 s23, $0x1;
	s23 =	sadd.s32 $0xFFFFFFFF, s23;
	[sflag:s3] =	ssyncadd.s32 $0xFFFFC000  }
0x50: {  	[tilespmem:s2], [sflag:$0x2] =	stream.linear.gather [hbm4b:s4+s2], $0x200, $0x38;
	[tilespmem:$0x10200] =	vst v63  }
0x51: {  	_ =	swait.ge [sflag:s3], $0x200  }
0x52: {  	[sflag:s3] =	ssyncset.done $0x0  }
0x53: {  	[sflag:s3] =	ssyncadd.s32 $0xFFFFFE00  }
0x54: {  	[tilespmem:s7], [sflag:$0x1] =	stream.indirect.gather [hbm4b:s5+s6], $0x80, s2, s6, $0xb8;
	[tilespmem:$0x10200] =	vst v63  }
0x55: {  	_ = 	snop  }
0x56: {  	[tilespmem:s9], [sflag:$0x1] =	stream.indirect.gather [hbm4b:s8+s6], $0x80, s2, s6, $0xb8;
	[tilespmem:$0x10200] =	vst v63  }
0x57: {  	_ = 	snop  }
0x58: {  	[tilespmem:s10], [sflag:$0x1] =	stream.indirect.gather [hbm4b:s5+s6], $0x80, s6, s6, $0xb8;
	[tilespmem:$0x10200] =	vst v63  }
0x59: {  	_ = 	snop  }
0x5a: {  	[tilespmem:s11], [sflag:$0x1] =	stream.indirect.gather [hbm4b:s8+s6], $0x80, s6, s6, $0xb8;
	[tilespmem:$0x10200] =	vst v63  }
0x5b: {  	_ =	swait.ge [sflag:s12], $0x4000  }
0x5c: {  	[sflag:s12] =	ssyncset.done $0x0  }
0x5d: {  	[sflag:s12] =	ssyncadd.s32 $0xFFFFC000  }
0x5e: {  	_ =	swait.ge [sflag:s12], $0x4000  }
0x5f: {  	[sflag:s12] =	ssyncset.done $0x0  }
0x60: {  	[sflag:s12] =	ssyncadd.s32 $0xFFFFC000  }
0x61: {  	[hbm4b:s13+s2] =	stream.linear.scatter [tilespmem:s7], [sflag:$0x2], $0x4000, $0x38;
	[tilespmem:$0x10200] =	vst v63  }
0x62: {  	_ =	swait.ge [sflag:s3], $0x4000  }
0x63: {  	[sflag:s3] =	ssyncset.done $0x0  }
0x64: {  	[sflag:s3] =	ssyncadd.s32 $0xFFFFC000  }
0x65: {  	[hbm4b:s14+s2] =	stream.linear.scatter [tilespmem:s9], [sflag:$0x2], $0x4000, $0x38;
	[tilespmem:$0x10200] =	vst v63  }
0x66: {  	_ =	swait.ge [sflag:s3], $0x4000  }
0x67: {  	[sflag:s3] =	ssyncset.done $0x0  }
0x68: {  	[sflag:s3] =	ssyncadd.s32 $0xFFFFC000  }
0x69: {  	[tilespmem:s7], [sflag:$0x1] =	stream.indirect.gather [hbm4b:s5+s6], $0x80, s15, s6, $0xb8;
	[tilespmem:$0x10200] =	vst v63  }
0x6a: {  	_ = 	snop  }
0x6b: {  	[tilespmem:s9], [sflag:$0x1] =	stream.indirect.gather [hbm4b:s8+s6], $0x80, s15, s6, $0xb8;
	[tilespmem:$0x10200] =	vst v63  }
0x6c: {  	_ =	swait.ge [sflag:s12], $0x4000  }
0x6d: {  	[sflag:s12] =	ssyncset.done $0x0  }
0x6e: {  	[sflag:s12] =	ssyncadd.s32 $0xFFFFC000  }
0x6f: {  	_ =	swait.ge [sflag:s12], $0x4000  }
0x70: {  	[sflag:s12] =	ssyncset.done $0x0  }
0x71: {  	[sflag:s12] =	ssyncadd.s32 $0xFFFFC000  }
0x72: {  	[hbm4b:s16+s2] =	stream.linear.scatter [tilespmem:s10], [sflag:$0x2], $0x4000, $0x38;
	[tilespmem:$0x10200] =	vst v63  }
0x73: {  	_ =	swait.ge [sflag:s3], $0x4000  }
0x74: {  	[sflag:s3] =	ssyncset.done $0x0  }
0x75: {  	[sflag:s3] =	ssyncadd.s32 $0xFFFFC000  }
0x76: {  	[hbm4b:s17+s2] =	stream.linear.scatter [tilespmem:s11], [sflag:$0x2], $0x4000, $0x38;
	[tilespmem:$0x10200] =	vst v63  }
0x77: {  	_ =	swait.ge [sflag:s3], $0x4000  }
0x78: {  	[sflag:s3] =	ssyncset.done $0x0  }
0x79: {  	[sflag:s3] =	ssyncadd.s32 $0xFFFFC000  }
0x7a: {  	[tilespmem:s10], [sflag:$0x1] =	stream.indirect.gather [hbm4b:s5+s6], $0x80, s18, s6, $0xb8;
	[tilespmem:$0x10200] =	vst v63  }
0x7b: {  	_ = 	snop  }
0x7c: {  	[tilespmem:s11], [sflag:$0x1] =	stream.indirect.gather [hbm4b:s8+s6], $0x80, s18, s6, $0xb8;
	[tilespmem:$0x10200] =	vst v63  }
0x7d: {  	_ =	swait.ge [sflag:s12], $0x4000  }
0x7e: {  	[sflag:s12] =	ssyncset.done $0x0  }
0x7f: {  	[sflag:s12] =	ssyncadd.s32 $0xFFFFC000  }
0x80: {  	_ =	swait.ge [sflag:s12], $0x4000  }
0x81: {  	[sflag:s12] =	ssyncset.done $0x0  }
0x82: {  	[sflag:s12] =	ssyncadd.s32 $0xFFFFC000  }
0x83: {  	[hbm4b:s19+s2] =	stream.linear.scatter [tilespmem:s7], [sflag:$0x2], $0x4000, $0x38;
	[tilespmem:$0x10200] =	vst v63  }
0x84: {  	_ =	swait.ge [sflag:s3], $0x4000  }
0x85: {  	[sflag:s3] =	ssyncset.done $0x0  }
0x86: {  	[sflag:s3] =	ssyncadd.s32 $0xFFFFC000  }
0x87: {  	[hbm4b:s20+s2] =	stream.linear.scatter [tilespmem:s9], [sflag:$0x2], $0x4000, $0x38;
	[tilespmem:$0x10200] =	vst v63  }
0x88: {  	_ =	swait.ge [sflag:s3], $0x4000  }
0x89: {  	[sflag:s3] =	ssyncset.done $0x0  }
0x8a: {  	[sflag:s3] =	ssyncadd.s32 $0xFFFFC000  }
0x8b: {  	_ =	swait.ge [sflag:s12], $0x4000  }
0x8c: {  	[sflag:s12] =	ssyncset.done $0x0  }
0x8d: {  	[sflag:s12] =	ssyncadd.s32 $0xFFFFC000  }
0x8e: {  	_ =	swait.ge [sflag:s12], $0x4000  }
0x8f: {  	[sflag:s12] =	ssyncset.done $0x0  }
0x90: {  	[sflag:s12] =	ssyncadd.s32 $0xFFFFC000  }
0x91: {  	[hbm4b:s21+s2] =	stream.linear.scatter [tilespmem:s10], [sflag:$0x2], $0x4000, $0x38;
	[tilespmem:$0x10200] =	vst v63  }
0x92: {  	_ =	swait.ge [sflag:s3], $0x4000  }
.Ltmp1:
0x93: {  	[sflag:s3] =	ssyncset.done $0x0;
	(pc) =	sbr.rel @p0 .LBB2_1-.Ltmp1, $4  }
0x94: {  	[sflag:s3] =	ssyncadd.s32 $0xFFFFC000  }
0x95: {  	[hbm4b:s22+s2] =	stream.linear.scatter [tilespmem:s11], [sflag:$0x2], $0x4000, $0x38;
	[tilespmem:$0x10200] =	vst v63  }
0x96: {  	_ =	swait.ge [sflag:s3], $0x4000  }
0x97: {  	[sflag:s3] =	ssyncset.done $0x0  }
.LBB2_2:
0x98: {  	[sflag:s3] =	ssyncadd.s32 $0xFFFFC000  }
0x99: {  	_ =	sfence.sel $0x180000  }
0x9a: {  	[bflag:$0x0] =	sbarrier.arrive $0xFFFF  }
0x9b: {  	p0 =	sne.s32 s0, $0x0;
	_ =	strace $0x9000004A  }
0x9c: {  	s0 =	sadd.s32 @!p0 $0x100000, s1;
	[bflag:$0x2] =	sbarrier.arrive $0xFFFF  }
0x9d: {  	[sflag:s0] =	ssyncadd.tile.s32 @!p0 $0x1;
	_ =	shalt  }
.Lfunc_end2:
_tile_overlayer_lowered:
.L_overlay_start_2:
0x9e: {  	(tag) =	ssettag $0x2  }
0x9f: {  	s0 =	rddreg [dreg:$0x0];
	s2 =	stileid.u32  }
0xa0: {  	s1 =	rddreg [dreg:$0x1];
	p0 =	sne.s32 s2, $0x0  }
0xa1: {  	s3 =	rddreg [dreg:$0x2];
	[bflag:$0x3] =	sbarrier.arrive $0xFFFF;
	s2 =	simm.s32 @!p0 $0x1C02  }
0xa2: {  	[timem:s3], [sflag:s2] =	dma.local @!p0 [hbm:s0], s1  }
0xa3: {  	s0 =	simm.s32 @!p0 $0x2  }
0xa4: {  	_ =	swait.ge @!p0 [sflag:s0], s1  }
0xa5: {  	s1 =	ssub.s32 @!p0 $0x0, s1;
	[sflag:s0] =	ssyncset.done @!p0 $0x0  }
0xa6: {  	[sflag:s0] =	ssyncadd.s32 @!p0 s1  }
0xa7: {  	[bflag:$0x3] =	sbarrier.arrive $0xFFFF  }
0xa8: {  	_ =	shalt  }

// kernel: sparse-core-data-format-call.cloned.1.call-start
scs
called_computation_lowered:
.L_overlay_start_0:
0x0: {  	s1 =	sld [smem:$0x3FD9]  }
0x1: {  	s2 =	sld [smem:$0x3FFE];
	_ =	sdelay $0x1  }
0x2: {  	s3 =	srdreg.scid  }
0x3: {  	s0 =	sand.u32 $0x1, s3  }
0x4: {  	s17 =	sshll.u32 s0, $0xA;
	s1 =	sadd.s32 s2, s1  }
0x5: {  	s1 =	sadd.s32 s1, s17  }
0x6: {  	[smem:$0x3FC6] =	sst s1  }
0x7: {  	_ = 	snop  }
0x8: {  	(tm) =	ssettm $0x1  }
0x9: {  	s18 =	sld [smem:$0x3FFB];
	_ =	sdelay $0x3  }
0xa: {  	_ =	strace s18  }
0xb: {  	s1 =	sld [smem:$0x3FFC];
	_ =	sdelay $0x3  }
0xc: {  	_ =	strace s1  }
0xd: {  	s1 =	sld [smem:$0x3FFD];
	_ =	sdelay $0x3  }
0xe: {  	_ =	strace s1  }
0xf: {  	_ =	strace $0x8FFFFFFF  }
0x10: {  	s19 =	sld [smem:$0x3FDB];
	_ =	sdelay $0x1  }
0x11: {  	s20 =	simm.s32 $_scs_section_size  }
0x12: {  	s4 =	simm.s32 $_size__tile_overlayer_lowered;
	s5 =	simm.s32 $_tile_overlayer_lowered  }
0x13: {  	s23 =	simm.s32 $0x1BFF;
	s22 =	sshll.u32 s5, $0x1;
	s1 =	sadd.s32 s20, s19  }
0x14: {  	s6 =	simm.s32 $0x0;
	s21 =	sshll.u32 s4, $0x1;
	s4 =	sadd.s32 s22, s1  }
0x15: {  	[timem:s6], [sflag:s23] =	dma.local [hbm:s4], s21  }
0x16: {  	_ =	swait.ge [sflag:s23], s21  }
0x17: {  	s2 =	ssub.s32 $0x0, s21;
	[sflag:s23] =	ssyncset.done $0x0  }
0x18: {  	[sflag:s23] =	ssyncadd.s32 s2;
	_ =	sdelay $0x1  }
0x19: {  	s24 =	simm.s32 $0x1B8B  }
0x1a: {  	_ =	swait.ge [sflag:s24], $0x1  }
0x1b: {  	[sflag:s24] =	ssyncset.done $0x0  }
0x1c: {  	s26 =	simm.s32 $0x1B8E;
	s25 =	sld [smem:$0x3FFE];
	[sflag:s24] =	ssyncadd.s32 $0xFFFFFFFF  }
0x1d: {  	s27 =	simm.s32 $execute0_lowered;
	[smem:$0x3FD2] =	sst s26  }
0x1e: {  	s4 =	sshll.u32 s27, $0x1;
	_ =	strace $0x80000046;
	[dreg:$0x1] =	wrdreg $0xFFFFFFFF  }
0x1f: {  	s28 =	simm.s32 $_size_execute0_lowered;
	s1 =	sadd.s32 s1, s4;
	[dreg:$0x0] =	wrdreg $0x0  }
0x20: {  	s4 =	sshll.u32 s28, $0x1;
	[dreg:$0x2] =	wrdreg s1  }
0x21: {  	[dreg:$0x3] =	wrdreg s4  }
0x22: {  	[dreg:$0x4] =	wrdreg $0xC0  }
0x23: {  	_ =	task [dreg:s6], $0x5FFFF  }
0x24: {  	[dreg:$0x1] =	wrdreg $0xFFFFFFFF  }
0x25: {  	[dreg:$0x0] =	wrdreg $0x60  }
0x26: {  	[dreg:$0x2] =	wrdreg s25  }
0x27: {  	[dreg:$0x3] =	wrdreg $0x9  }
0x28: {  	_ =	task.clear_ibuf [dreg:s6], $0x4FFFF;
	_ =	strace $0x90000046  }
0x29: {  	s29 =	simm.s32 $0x9;
	_ =	strace $0x80000048  }
0x2a: {  	_ =	swait.ge [sflag:s29], $0x1  }
0x2b: {  	[sflag:s29] =	ssyncadd.s32 $0xFFFFFFFF  }
0x2c: {  	_ =	strace $0x90000048  }
0x2d: {  	_ =	sfence  }
0x2e: {  	s30 =	sld [smem:$0x0];
	_ =	sdelay $0x2  }
0x2f: {  	s31 =	sshll.u32 s3, $0xD;
	s3 =	sshrl.u32 s3, $0x2  }
0x30: {  	s2 =	sand.u32 $0x4000, s31;
	s1 =	sadd.s32 s3, s30  }
0x31: {  	s0 =	sor.u32 s2, s0;
	s1 =	sshll.u32 s1, $0x11  }
0x32: {  	s0 =	sor.u32 s1, s0  }
0x33: {  	s0 =	sadd.s32 $0x8F2B, s0  }
0x34: {  	[sflag:s0] =	ssyncadd.remote.s32 $0x1  }
0x35: {  	_ =	sfence.sel $0xFFFF  }
0x36: {  	[dreg:$0x0] =	wrdreg $0xFFFFFFFF;
	(pc) =	sbr.abs _section_cstart, $3  }
0x37: {  	[dreg:$0x1] =	wrdreg $0xFFFFFFFF  }
0x38: {  	_ =	task.clear_ibuf [dreg:s6], $0x2FFFF;
	_ =	strace $0x9FFFFFFF  }
0x39: {  	(tm) =	ssettm $0x7FFFFFFF  }
tec
execute0_lowered:
.L_overlay_start_1:
0x0: {  	(tag) =	ssettag $0x1  }
0x1: {  	s0 =	srdreg.scid  }
0x2: {  	s5 =	rddreg [dreg:$0x0];
	s1 =	stileid.u32;
	s4 =	simm.s32 $0x1  }
0x3: {  	s6 =	simm.s32 $0x2;
	s15 =	simm.s32 $0x0;
	p0 =	por $0x0, $0x0  }
0x4: {  	s8 =	simm.s32 $0x80;
	s14 =	simm.s32 $0x0;
	s2 =	sshll.u32 s0, $0x4  }
0x5: {  	s9 =	simm.s32 $0x0;
	s10 =	simm.s32 $0x0;
	s2 =	sand.u32 $0x10, s2  }
.Ltmp0:
0x6: {  	s12 =	simm.s32 $0x0;
	s3 =	sor.u32 s1, s2;
	(pc) =	sbr.rel .LBB1_1-.Ltmp0, $4  }
0x7: {  	s0 =	rddreg [dreg:$0x1];
	_ =	strace $0x80000047;
	s3 =	sshll.u32 s3, $0x9  }
0x8: {  	s13 =	simm.s32 $0x0;
	[sflag:s4] =	ssyncpa.u1 $0x0;
	s7 =	ssub.s32 $0x5F400, s3  }
0x9: {  	s2 =	sadd.s32 $0xC00, s5;
	[sflag:s6] =	ssyncpa.u1 $0x0;
	s6 =	sshrl.u32 s7, $0xE  }
0xa: {  	s5 =	sadd.s32 $0x17E400, s5;
	s11 =	smov.u32 s3;
	s7 =	sadd.s32 $0x2, s6  }
.LBB1_5:
0xb: {  	p1 =	slt.u32 s13, $0x2  }
0xc: {  	s17 =	smov.u32 s15;
	p2 =	sgt.s32 @!p1 s15, $0x5F3E8;
	s16 =	sshra.s32 @!p1 s15, $0x1F  }
0xd: {  	p3 =	sgt.s32 @!p1 s14, $0x60;
	s18 =	sshra.s32 @!p1 s14, $0x1F;
	p2 =	por !p2, p1  }
0xe: {  	s15 =	sand.u32 @!p1 s16, s15;
	p3 =	por !p3, p1;
	s16 =	smov.u32 s14  }
0xf: {  	s14 =	sand.u32 @!p1 s18, s14;
	s17 =	simm.s32 @p2 $0x5F3E8;
	s16 =	simm.s32 @p3 $0x60  }
0x10: {  	s15 =	ssub.s32 @!p1 s17, s15;
	s14 =	ssub.s32 @!p1 s16, s14  }
0x11: {  	s18 =	smov.u32 s12;
	s16 =	sadd.s32 @!p1 $0xFFFA0C18, s15;
	s17 =	sadd.s32 @!p1 $0xFFFFFFA0, s14  }
0x12: {  	s15 =	ssub.s32 @!p1 $0x5F5E8, s15;
	p2 =	sgt.s32 @!p1 s16, $0x1FF;
	p3 =	sgt.s32 @!p1 s17, $0x1F  }
0x13: {  	s14 =	ssub.s32 @!p1 $0x80, s14;
	p2 =	por !p2, p1;
	p3 =	por !p3, p1  }
0x14: {  	s16 =	sadd.s32 $0x4000, s11;
	s15 =	simm.s32 @!p2 $0x0;
	s14 =	simm.s32 @!p3 $0x0  }
0x15: {  	p2 =	sgt.s32 s16, $0x5F5E0;
	s14 =	smul.u32 @!p1 s14, s15;
	s15 =	sadd.s32 $0x20, s12  }
0x16: {  	s18 =	smov.u32 @p2 s15  }
0x17: {  	s16 =	smov.u32 @p2 s3;
	p2 =	sgt.s32 s18, $0x1F  }
0x18: {  	s18 =	simm.s32 @p2 $0x0;
	p2 =	sne.s32 s13, s7  }
.Ltmp1:
0x19: {  	p0 =	por !p0, !p0;
	s17 =	simm.s32 @!p1 $0x2;
	(pc) =	sbr.rel @!p2 .LBB1_6-.Ltmp1, $4  }
0x1a: {  	s15 =	smov.u32 s9;
	s9 =	smov.u32 s11;
	s14 =	sand.u32 @!p1 $0x3FFFFFFF, s14  }
0x1b: {  	s11 =	smov.u32 s16;
	_ =	swait.ge @!p1 [sflag:s17], s14;
	s19 =	ssub.s32 @!p1 $0x0, s14  }
0x1c: {  	s14 =	smov.u32 s10;
	s13 =	sadd.s32 $0x1, s13;
	[sflag:s17] =	ssyncset.done @!p1 $0x0  }
0x1d: {  	s10 =	smov.u32 s12;
	s12 =	smov.u32 s18;
	[sflag:s17] =	ssyncadd.s32 @!p1 s19  }
.LBB1_1:
0x1e: {  	p1 =	sgt.u32 s13, s6  }
0x1f: {  	s16 =	sshrl.u32 @!p1 s12, $0x3  }
0x20: {  	s17 =	sshll.u32 @!p1 s11, $0x3;
	s16 =	smul.u32 @!p1 $0x2FB000, s16  }
0x21: {  	s18 =	sshll.u32 @!p1 s12, $0x7;
	s17 =	sand.u32 @!p1 $0xFFFFFC00, s17  }
0x22: {  	s16 =	sadd.s32 @!p1 s16, s17;
	s17 =	sand.u32 @!p1 $0x380, s18  }
0x23: {  	s16 =	sor.u32 @!p1 s17, s16  }
0x24: {  	s17 =	sshrl.u32 @!p1 s16, $0x9  }
0x25: {  	s17 =	smulhi.u32 @!p1 $0x55E47D, s17;
	_ =	sdelay $0x1  }
0x26: {  	s18 =	sand.u32 @!p1 $0x7F, s11;
	s19 =	smul.u32 @!p1 $0x5F600, s17  }
0x27: {  	s16 =	sor.u32 @!p1 s18, s16;
	s18 =	sxor.u32 @!p1 $0xFFFFFFFF, s13  }
0x28: {  	s18 =	sshll.u32 @!p1 s18, $0xE;
	s17 =	sand.u32 @!p1 $0x1F, s17;
	s16 =	ssub.s32 @!p1 s16, s19  }
0x29: {  	s17 =	smul.u32 @!p1 $0xBEC0, s17;
	s19 =	sshrl.u32 @!p1 s16, $0x3;
	s16 =	sand.u32 @!p1 $0x7, s16  }
0x2a: {  	s18 =	sand.u32 @!p1 $0x4000, s18;
	s19 =	sadd.s32 @!p1 s2, s19;
	s16 =	sshll.u32 @!p1 s16, $0x12  }
0x2b: {  	s17 =	sadd.s32 @!p1 s17, s19;
	s16 =	sor.u32 @!p1 $0x1000, s16;
	s19 =	simm.s32 @!p1 $0x2FB000  }
0x2c: {  	[tilespmem:s18], [sflag:$0x1] =	stream.strided.gather @!p1 [hbm4b:s17+s16], $0x4000, s19, s16, $0x38;
	[tilespmem:$0x10400] =	vst v63  }
0x2d: {  	p1 =	seq.s32 s13, $0x0  }
0x2e: {  	p2 =	sge.u32 @!p1 s13, s7  }
0x2f: {  	p1 =	por p1, p2  }
.Ltmp2:
0x30: {  	_ = 	snop;
	(pc) =	sbr.rel @p1 .LBB1_5-.Ltmp2, $1  }
0x31: {  	_ =	sdelay $0x3  }
0x32: {  	s19 =	simm.s32 $0x0  }
0x33: {  	s18 =	sand.u32 $0x3000, s19;
	s20 =	sand.u32 $0x380, s19  }
0x34: {  	s16 =	sand.u32 $0x1, s13;
	s18 =	sor.u32 s20, s18  }
0x35: {  	_ =	swait.ge [sflag:s4], $0x4000;
	s17 =	sshll.u32 s16, $0xE;
	s20 =	sand.u32 $0x3200, s18  }
0x36: {  	[sflag:s4] =	ssyncset.done $0x0;
	s19 =	sand.u32 $0x180, s19;
	s20 =	sadd.s32 s20, s17  }
0x37: {  	[sflag:s4] =	ssyncadd.s32 $0xFFFFC000;
	s22 =	sadd.s32 s19, s20  }
0x38: {  	v4 =	vld [tilespmem:s22+$0xC00]  }
0x39: {  	s21 =	simm.s32 $0x1;
	v0 =	vmov s17;
	v5 =	vld [tilespmem:s22+$0x0]  }
0x3a: {  	s21 =	simm.s32 @!p0 $0x0;
	v6 =	vld [tilespmem:s22+$0x10]  }
0x3b: {  	s31 =	smul.u32 $0x10800, s21;
	v7 =	vld [tilespmem:s22+$0x20]  }
0x3c: {  	v8 =	vld [tilespmem:s22+$0x30]  }
0x3d: {  	s19 =	sshrl.u32 s31, $0x2;
	v9 =	vld [tilespmem:s22+$0x40]  }
0x3e: {  	s19 =	sor.u32 $0x8000, s19;
	v1 =	vld.idx.msk [tilespmem:v0+s18+$0x410 ss:$0x1], $0xffff  }
0x3f: {  	v2 =	vld.idx.msk [tilespmem:v0+s18+$0x420 ss:$0x1], $0xffff;
	s20 =	sadd.s32 $0x0, s19  }
0x40: {  	v3 =	vld.idx.msk [tilespmem:v0+s18+$0x430 ss:$0x1], $0xffff;
	[tilespmem:s20+$0x3180 ss:$0x21] =	vst.msk $0xffff, v4  }
0x41: {  	v10 =	vld.idx.msk [tilespmem:v0+s18+$0x820 ss:$0x1], $0xffff;
	[tilespmem:s20+$0x0 ss:$0x21] =	vst.msk $0xffff, v5  }
0x42: {  	v11 =	vld.idx.msk [tilespmem:v0+s18+$0x830 ss:$0x1], $0xffff;
	[tilespmem:s20+$0x210 ss:$0x21] =	vst.msk $0xffff, v6  }
0x43: {  	v12 =	vld.idx.msk [tilespmem:v0+s18+$0x840 ss:$0x1], $0xffff;
	[tilespmem:s20+$0x420 ss:$0x21] =	vst.msk $0xffff, v7  }
0x44: {  	v13 =	vld.idx.msk [tilespmem:v0+s18+$0x850 ss:$0x1], $0xffff;
	[tilespmem:s20+$0x630 ss:$0x21] =	vst.msk $0xffff, v8  }
0x45: {  	v4 =	vld [tilespmem:s22+$0x50];
	[tilespmem:s20+$0x840 ss:$0x21] =	vst.msk $0xffff, v9  }
0x46: {  	v5 =	vld [tilespmem:s22+$0x60];
	[tilespmem:s20+$0x1290 ss:$0x21] =	vst.msk $0xffff, v1  }
0x47: {  	v6 =	vld [tilespmem:s22+$0x70];
	[tilespmem:s20+$0x14A0 ss:$0x21] =	vst.msk $0xffff, v2  }
0x48: {  	v7 =	vld [tilespmem:s22+$0x400];
	[tilespmem:s20+$0x16B0 ss:$0x21] =	vst.msk $0xffff, v3  }
0x49: {  	v8 =	vld [tilespmem:s22+$0x800];
	[tilespmem:s20+$0x2520 ss:$0x21] =	vst.msk $0xffff, v10  }
0x4a: {  	v9 =	vld.idx.msk [tilespmem:v0+s18+$0x470 ss:$0x1], $0xffff;
	[tilespmem:s20+$0x2730 ss:$0x21] =	vst.msk $0xffff, v11  }
0x4b: {  	v3 =	vld.idx.msk [tilespmem:v0+s18+$0xC10 ss:$0x1], $0xffff;
	[tilespmem:s20+$0x2940 ss:$0x21] =	vst.msk $0xffff, v12  }
0x4c: {  	v1 =	vld.idx.msk [tilespmem:v0+s18+$0xC20 ss:$0x1], $0xffff;
	[tilespmem:s20+$0x2B50 ss:$0x21] =	vst.msk $0xffff, v13  }
0x4d: {  	v2 =	vld.idx.msk [tilespmem:v0+s18+$0xC30 ss:$0x1], $0xffff;
	[tilespmem:s20+$0xA50 ss:$0x21] =	vst.msk $0xffff, v4  }
0x4e: {  	[tilespmem:s20+$0xE70 ss:$0x21] =	vst.msk $0xffff, v6;
	v6 =	vld.idx.msk [tilespmem:v0+s18+$0x460 ss:$0x1], $0xffff  }
0x4f: {  	v4 =	vld.idx.msk [tilespmem:v0+s18+$0x440 ss:$0x1], $0xffff;
	[tilespmem:s20+$0xC60 ss:$0x21] =	vst.msk $0xffff, v5  }
0x50: {  	v5 =	vld.idx.msk [tilespmem:v0+s18+$0x450 ss:$0x1], $0xffff;
	[tilespmem:s20+$0x1080 ss:$0x21] =	vst.msk $0xffff, v7  }
0x51: {  	[tilespmem:s20+$0x2100 ss:$0x21] =	vst.msk $0xffff, v8;
	v8 =	vld.idx.msk [tilespmem:v0+s18+$0x810 ss:$0x1], $0xffff  }
0x52: {  	v7 =	vld.idx.msk [tilespmem:v0+s18+$0x860 ss:$0x1], $0xffff;
	[tilespmem:s20+$0x1EF0 ss:$0x21] =	vst.msk $0xffff, v9  }
0x53: {  	s16 =	smul.u32 $0x10800, s16;
	[tilespmem:s20+$0x1CE0 ss:$0x21] =	vst.msk $0xffff, v6;
	v6 =	vld.idx.msk [tilespmem:v0+s18+$0x870 ss:$0x1], $0xffff  }
0x54: {  	s23 =	simm.s32 $0x200;
	s24 =	simm.s32 $0x8;
	[tilespmem:s20+$0x18C0 ss:$0x21] =	vst.msk $0xffff, v4;
	v4 =	vld.idx.msk [tilespmem:v0+s18+$0xC40 ss:$0x1], $0xffff  }
0x55: {  	s25 =	sand.u32 $0x3000, s23;
	s16 =	sshrl.u32 s16, $0x2;
	s22 =	simm.s32 $0x80;
	[tilespmem:s20+$0x1AD0 ss:$0x21] =	vst.msk $0xffff, v5;
	v5 =	vld.idx.msk [tilespmem:v0+s18+$0xC50 ss:$0x1], $0xffff  }
0x56: {  	s21 =	simm.s32 $0x4;
	s16 =	sor.u32 $0x8000, s16;
	s26 =	sand.u32 $0x380, s22;
	[tilespmem:s20+$0x2310 ss:$0x21] =	vst.msk $0xffff, v8;
	v8 =	vld.idx.msk [tilespmem:v0+s18+$0xC60 ss:$0x1], $0xffff  }
.LBB1_3:
0x57: {  	p1 =	sne.s32 s24, $0x7C;
	[tilespmem:s20+$0x2D60 ss:$0x21] =	vst.msk $0xffff, v7;
	v7 =	vld.idx.msk [tilespmem:v0+s18+$0xC70 ss:$0x1], $0xffff;
	s18 =	sor.u32 s26, s25  }
0x58: {  	s25 =	sand.u32 $0x3200, s18;
	v9 =	vld.idx.msk [tilespmem:v0+s18+$0x410 ss:$0x1], $0xffff;
	[tilespmem:s20+$0x2F70 ss:$0x21] =	vst.msk $0xffff, v6  }
0x59: {  	s26 =	sand.u32 $0x180, s22;
	s25 =	sadd.s32 s25, s17;
	v6 =	vld.idx.msk [tilespmem:v0+s18+$0x420 ss:$0x1], $0xffff;
	[tilespmem:s20+$0x3390 ss:$0x21] =	vst.msk $0xffff, v3  }
0x5a: {  	s25 =	sadd.s32 s26, s25;
	v3 =	vld.idx.msk [tilespmem:v0+s18+$0x430 ss:$0x1], $0xffff;
	[tilespmem:s20+$0x35A0 ss:$0x21] =	vst.msk $0xffff, v1  }
0x5b: {  	v1 =	vld [tilespmem:s25+$0xC00];
	[tilespmem:s20+$0x37B0 ss:$0x21] =	vst.msk $0xffff, v2  }
0x5c: {  	v2 =	vld [tilespmem:s25+$0x0];
	[tilespmem:s20+$0x39C0 ss:$0x21] =	vst.msk $0xffff, v4  }
0x5d: {  	v4 =	vld [tilespmem:s25+$0x10];
	[tilespmem:s20+$0x3BD0 ss:$0x21] =	vst.msk $0xffff, v5  }
0x5e: {  	s26 =	sshra.s32 s21, $0x2;
	s21 =	smov.u32 s24;
	v5 =	vld [tilespmem:s25+$0x20];
	[tilespmem:s20+$0x3DE0 ss:$0x21] =	vst.msk $0xffff, v8  }
0x5f: {  	v8 =	vld [tilespmem:s25+$0x30];
	[tilespmem:s20+$0x3FF0 ss:$0x21] =	vst.msk $0xffff, v7;
	s20 =	sadd.s32 s26, s19  }
0x60: {  	v7 =	vld [tilespmem:s25+$0x40];
	[tilespmem:s20+$0x3180 ss:$0x21] =	vst.msk $0xffff, v1  }
0x61: {  	[tilespmem:s20+$0x0 ss:$0x21] =	vst.msk $0xffff, v2;
	v1 =	vld [tilespmem:s25+$0x50]  }
0x62: {  	[tilespmem:s20+$0x210 ss:$0x21] =	vst.msk $0xffff, v4;
	v2 =	vld [tilespmem:s25+$0x60]  }
0x63: {  	[tilespmem:s20+$0x420 ss:$0x21] =	vst.msk $0xffff, v5;
	v4 =	vld [tilespmem:s25+$0x70]  }
0x64: {  	[tilespmem:s20+$0x630 ss:$0x21] =	vst.msk $0xffff, v8;
	v5 =	vld [tilespmem:s25+$0x400]  }
0x65: {  	[tilespmem:s20+$0x840 ss:$0x21] =	vst.msk $0xffff, v7;
	v7 =	vld [tilespmem:s25+$0x800]  }
0x66: {  	[tilespmem:s20+$0xA50 ss:$0x21] =	vst.msk $0xffff, v1;
	v1 =	vld.idx.msk [tilespmem:v0+s18+$0x440 ss:$0x1], $0xffff  }
0x67: {  	[tilespmem:s20+$0xC60 ss:$0x21] =	vst.msk $0xffff, v2;
	v2 =	vld.idx.msk [tilespmem:v0+s18+$0x450 ss:$0x1], $0xffff  }
0x68: {  	[tilespmem:s20+$0xE70 ss:$0x21] =	vst.msk $0xffff, v4;
	v4 =	vld.idx.msk [tilespmem:v0+s18+$0x460 ss:$0x1], $0xffff  }
0x69: {  	[tilespmem:s20+$0x1080 ss:$0x21] =	vst.msk $0xffff, v5;
	v5 =	vld.idx.msk [tilespmem:v0+s18+$0x470 ss:$0x1], $0xffff  }
0x6a: {  	[tilespmem:s20+$0x2100 ss:$0x21] =	vst.msk $0xffff, v7;
	v8 =	vld.idx.msk [tilespmem:v0+s18+$0x810 ss:$0x1], $0xffff  }
0x6b: {  	[tilespmem:s20+$0x1290 ss:$0x21] =	vst.msk $0xffff, v9;
	v9 =	vld.idx.msk [tilespmem:v0+s18+$0x820 ss:$0x1], $0xffff  }
0x6c: {  	[tilespmem:s20+$0x14A0 ss:$0x21] =	vst.msk $0xffff, v6;
	v10 =	vld.idx.msk [tilespmem:v0+s18+$0x830 ss:$0x1], $0xffff  }
0x6d: {  	[tilespmem:s20+$0x16B0 ss:$0x21] =	vst.msk $0xffff, v3;
	v11 =	vld.idx.msk [tilespmem:v0+s18+$0x840 ss:$0x1], $0xffff  }
0x6e: {  	[tilespmem:s20+$0x18C0 ss:$0x21] =	vst.msk $0xffff, v1;
	v12 =	vld.idx.msk [tilespmem:v0+s18+$0x850 ss:$0x1], $0xffff  }
0x6f: {  	[tilespmem:s20+$0x1AD0 ss:$0x21] =	vst.msk $0xffff, v2;
	v7 =	vld.idx.msk [tilespmem:v0+s18+$0x860 ss:$0x1], $0xffff  }
0x70: {  	[tilespmem:s20+$0x1CE0 ss:$0x21] =	vst.msk $0xffff, v4;
	v6 =	vld.idx.msk [tilespmem:v0+s18+$0x870 ss:$0x1], $0xffff  }
0x71: {  	[tilespmem:s20+$0x1EF0 ss:$0x21] =	vst.msk $0xffff, v5;
	v3 =	vld.idx.msk [tilespmem:v0+s18+$0xC10 ss:$0x1], $0xffff  }
.Ltmp3:
0x72: {  	[tilespmem:s20+$0x2310 ss:$0x21] =	vst.msk $0xffff, v8;
	v1 =	vld.idx.msk [tilespmem:v0+s18+$0xC20 ss:$0x1], $0xffff;
	(pc) =	sbr.rel @p1 .LBB1_3-.Ltmp3, $4  }
0x73: {  	[tilespmem:s20+$0x2520 ss:$0x21] =	vst.msk $0xffff, v9;
	v2 =	vld.idx.msk [tilespmem:v0+s18+$0xC30 ss:$0x1], $0xffff  }
0x74: {  	[tilespmem:s20+$0x2730 ss:$0x21] =	vst.msk $0xffff, v10;
	v4 =	vld.idx.msk [tilespmem:v0+s18+$0xC40 ss:$0x1], $0xffff  }
0x75: {  	s22 =	sadd.s32 $0x80, s22;
	s23 =	sadd.s32 $0x200, s23;
	[tilespmem:s20+$0x2940 ss:$0x21] =	vst.msk $0xffff, v11;
	v5 =	vld.idx.msk [tilespmem:v0+s18+$0xC50 ss:$0x1], $0xffff  }
0x76: {  	s24 =	sadd.s32 $0x4, s24;
	s26 =	sand.u32 $0x380, s22;
	s25 =	sand.u32 $0x3000, s23;
	[tilespmem:s20+$0x2B50 ss:$0x21] =	vst.msk $0xffff, v12;
	v8 =	vld.idx.msk [tilespmem:v0+s18+$0xC60 ss:$0x1], $0xffff  }
0x77: {  	_ = 	snop  }
0x78: {  	[tilespmem:s20+$0x2D60 ss:$0x21] =	vst.msk $0xffff, v7  }
0x79: {  	[tilespmem:s20+$0x2F70 ss:$0x21] =	vst.msk $0xffff, v6  }
0x7a: {  	[tilespmem:s20+$0x3390 ss:$0x21] =	vst.msk $0xffff, v3  }
0x7b: {  	s23 =	sor.u32 s26, s25;
	v31 =	vld.idx.msk [tilespmem:v0+s18+$0xC70 ss:$0x1], $0xffff;
	[tilespmem:s20+$0x35A0 ss:$0x21] =	vst.msk $0xffff, v1  }
0x7c: {  	[tilespmem:s20+$0x37B0 ss:$0x21] =	vst.msk $0xffff, v2;
	v43 =	vld.idx.msk [tilespmem:v0+s23+$0x410 ss:$0x1], $0xffff  }
0x7d: {  	v44 =	vld.idx.msk [tilespmem:v0+s23+$0x420 ss:$0x1], $0xffff;
	[tilespmem:s20+$0x39C0 ss:$0x21] =	vst.msk $0xffff, v4  }
0x7e: {  	s24 =	sand.u32 $0x3200, s23;
	v45 =	vld.idx.msk [tilespmem:v0+s23+$0x430 ss:$0x1], $0xffff;
	[tilespmem:s20+$0x3BD0 ss:$0x21] =	vst.msk $0xffff, v5  }
0x7f: {  	s22 =	sand.u32 $0x180, s22;
	s30 =	sshra.s32 s21, $0x2;
	v46 =	vld.idx.msk [tilespmem:v0+s23+$0x440 ss:$0x1], $0xffff;
	s17 =	sadd.s32 s24, s17;
	[tilespmem:s20+$0x3DE0 ss:$0x21] =	vst.msk $0xffff, v8  }
0x80: {  	v47 =	vld.idx.msk [tilespmem:v0+s23+$0x450 ss:$0x1], $0xffff;
	s29 =	sadd.s32 s22, s17;
	s17 =	sadd.s32 s30, s19;
	[tilespmem:s20+$0x3FF0 ss:$0x21] =	vst.msk $0xffff, v31  }
0x81: {  	v48 =	vld.idx.msk [tilespmem:v0+s23+$0x460 ss:$0x1], $0xffff;
	[tilespmem:s17+$0x1290 ss:$0x21] =	vst.msk $0xffff, v43  }
0x82: {  	v49 =	vld.idx.msk [tilespmem:v0+s23+$0x470 ss:$0x1], $0xffff;
	[tilespmem:s17+$0x14A0 ss:$0x21] =	vst.msk $0xffff, v44  }
0x83: {  	v50 =	vld.idx.msk [tilespmem:v0+s23+$0x810 ss:$0x1], $0xffff;
	[tilespmem:s17+$0x16B0 ss:$0x21] =	vst.msk $0xffff, v45  }
0x84: {  	v51 =	vld.idx.msk [tilespmem:v0+s23+$0x820 ss:$0x1], $0xffff;
	[tilespmem:s17+$0x18C0 ss:$0x21] =	vst.msk $0xffff, v46  }
0x85: {  	v52 =	vld.idx.msk [tilespmem:v0+s23+$0x830 ss:$0x1], $0xffff;
	[tilespmem:s17+$0x1AD0 ss:$0x21] =	vst.msk $0xffff, v47  }
0x86: {  	v53 =	vld.idx.msk [tilespmem:v0+s23+$0x840 ss:$0x1], $0xffff;
	[tilespmem:s17+$0x1CE0 ss:$0x21] =	vst.msk $0xffff, v48  }
0x87: {  	v54 =	vld.idx.msk [tilespmem:v0+s23+$0x850 ss:$0x1], $0xffff;
	[tilespmem:s17+$0x1EF0 ss:$0x21] =	vst.msk $0xffff, v49  }
0x88: {  	v55 =	vld.idx.msk [tilespmem:v0+s23+$0x860 ss:$0x1], $0xffff;
	[tilespmem:s17+$0x2310 ss:$0x21] =	vst.msk $0xffff, v50  }
0x89: {  	v56 =	vld.idx.msk [tilespmem:v0+s23+$0x870 ss:$0x1], $0xffff;
	[tilespmem:s17+$0x2520 ss:$0x21] =	vst.msk $0xffff, v51  }
0x8a: {  	v57 =	vld.idx.msk [tilespmem:v0+s23+$0xC10 ss:$0x1], $0xffff;
	[tilespmem:s17+$0x2730 ss:$0x21] =	vst.msk $0xffff, v52  }
0x8b: {  	v58 =	vld.idx.msk [tilespmem:v0+s23+$0xC20 ss:$0x1], $0xffff;
	[tilespmem:s17+$0x2940 ss:$0x21] =	vst.msk $0xffff, v53  }
0x8c: {  	v59 =	vld.idx.msk [tilespmem:v0+s23+$0xC30 ss:$0x1], $0xffff;
	[tilespmem:s17+$0x2B50 ss:$0x21] =	vst.msk $0xffff, v54  }
0x8d: {  	v60 =	vld.idx.msk [tilespmem:v0+s23+$0xC40 ss:$0x1], $0xffff;
	[tilespmem:s17+$0x2D60 ss:$0x21] =	vst.msk $0xffff, v55  }
0x8e: {  	v61 =	vld.idx.msk [tilespmem:v0+s23+$0xC50 ss:$0x1], $0xffff;
	[tilespmem:s17+$0x2F70 ss:$0x21] =	vst.msk $0xffff, v56  }
0x8f: {  	v62 =	vld.idx.msk [tilespmem:v0+s23+$0xC60 ss:$0x1], $0xffff;
	[tilespmem:s17+$0x3390 ss:$0x21] =	vst.msk $0xffff, v57  }
0x90: {  	v63 =	vld.idx.msk [tilespmem:v0+s23+$0xC70 ss:$0x1], $0xffff;
	[tilespmem:s17+$0x35A0 ss:$0x21] =	vst.msk $0xffff, v58  }
0x91: {  	s31 =	sshll.u32 s9, $0x7;
	v32 =	vld [tilespmem:s29+$0xC00];
	s20 =	sshll.u32 s10, $0x3;
	[tilespmem:s17+$0x37B0 ss:$0x21] =	vst.msk $0xffff, v59  }
0x92: {  	s21 =	sand.u32 $0xFFFFFC00, s31;
	v33 =	vld [tilespmem:s29+$0x0];
	s19 =	sand.u32 $0xFFFFFC00, s20;
	[tilespmem:s17+$0x39C0 ss:$0x21] =	vst.msk $0xffff, v60  }
0x93: {  	s18 =	sand.u32 $0x380, s31;
	v34 =	vld [tilespmem:s29+$0x10];
	[tilespmem:s17+$0x3BD0 ss:$0x21] =	vst.msk $0xffff, v61;
	s19 =	sadd.s32 s19, s21  }
0x94: {  	v35 =	vld [tilespmem:s29+$0x20];
	[tilespmem:s17+$0x3DE0 ss:$0x21] =	vst.msk $0xffff, v62;
	s18 =	sor.u32 s18, s19  }
0x95: {  	p1 =	sgt.s32 s9, $0x5F3E8;
	s25 =	sshra.s32 s10, $0x1F;
	v36 =	vld [tilespmem:s29+$0x30];
	[tilespmem:s17+$0x3FF0 ss:$0x21] =	vst.msk $0xffff, v63;
	s18 =	sshrl.u32 s18, $0x7  }
0x96: {  	s24 =	sshra.s32 s9, $0x1F;
	v37 =	vld [tilespmem:s29+$0x40];
	s20 =	smov.u32 s9;
	[tilespmem:s17+$0x3180 ss:$0x21] =	vst.msk $0xffff, v32;
	s22 =	smulhi.u32 $0x157975B, s18  }
0x97: {  	s28 =	sshrl.u32 s10, $0x3;
	v38 =	vld [tilespmem:s29+$0x50];
	s20 =	simm.s32 @!p1 $0x5F3E8;
	s21 =	sand.u32 s24, s9;
	[tilespmem:s17+$0x0 ss:$0x21] =	vst.msk $0xffff, v33  }
0x98: {  	v39 =	vld [tilespmem:s29+$0x60];
	p1 =	sgt.s32 s10, $0x60;
	[tilespmem:s17+$0x210 ss:$0x21] =	vst.msk $0xffff, v34;
	s19 =	sshrl.u32 s22, $0xB;
	s22 =	smov.u32 s10  }
0x99: {  	s26 =	sand.u32 s25, s10;
	v40 =	vld [tilespmem:s29+$0x70];
	s20 =	ssub.s32 s20, s21;
	[tilespmem:s17+$0x420 ss:$0x21] =	vst.msk $0xffff, v35;
	s22 =	simm.s32 @!p1 $0x60  }
0x9a: {  	v41 =	vld [tilespmem:s29+$0x400];
	[tilespmem:s17+$0x630 ss:$0x21] =	vst.msk $0xffff, v36;
	s27 =	sadd.s32 $0xFFFA0C18, s20;
	s20 =	ssub.s32 $0x5F5E8, s20;
	s21 =	ssub.s32 s22, s26  }
0x9b: {  	v42 =	vld [tilespmem:s29+$0x800];
	[tilespmem:s17+$0x840 ss:$0x21] =	vst.msk $0xffff, v37;
	s19 =	smul.u32 $0x5F5E8, s19;
	p1 =	sgt.s32 s27, $0x1FF;
	s22 =	sadd.s32 $0xFFFFFFA0, s21  }
0x9c: {  	[tilespmem:s17+$0xA50 ss:$0x21] =	vst.msk $0xffff, v38;
	s20 =	simm.s32 @p1 $0x0;
	s21 =	ssub.s32 $0x80, s21;
	p1 =	sgt.s32 s22, $0x1F  }
.Ltmp4:
0x9d: {  	s29 =	sand.u32 $0x7, s10;
	[tilespmem:s17+$0xC60 ss:$0x21] =	vst.msk $0xffff, v39;
	s21 =	simm.s32 @p1 $0x0;
	(pc) =	sbr.rel .LBB1_5-.Ltmp4, $4  }
0x9e: {  	[tilespmem:s17+$0xE70 ss:$0x21] =	vst.msk $0xffff, v40;
	s18 =	ssub.s32 s18, s19;
	s19 =	sand.u32 $0xF, s28;
	s20 =	smul.u32 s21, s20  }
0x9f: {  	[tilespmem:s17+$0x1080 ss:$0x21] =	vst.msk $0xffff, v41;
	s18 =	sshll.u32 s18, $0x4;
	s19 =	sadd.s32 s5, s19;
	s21 =	sshll.u32 s29, $0x12  }
0xa0: {  	[tilespmem:s17+$0x2100 ss:$0x21] =	vst.msk $0xffff, v42;
	s18 =	sadd.s32 s18, s19;
	s31 =	sor.u32 $0x20, s21;
	s30 =	sand.u32 $0x3FFFFFFF, s20  }
0xa1: {  	[hbm4b:s18+s31] =	stream.strided.scatter [tilespmem:s16], [sflag:$0x2], s30, s8, s31, $0x10;
	[tilespmem:$0x10400] =	vst v63  }
.LBB1_6:
0xa2: {  	_ =	sfence.sel $0x180000  }
0xa3: {  	s2 =	simm.s32 $0x1;
	[bflag:$0x0] =	sbarrier.arrive $0xFFFF  }
0xa4: {  	s31 =	simm.s32 $0x2;
	[sflag:s2] =	ssyncpa.u1 $0x1  }
0xa5: {  	[sflag:s31] =	ssyncpa.u1 $0x1  }
0xa6: {  	p0 =	sne.s32 s1, $0x0;
	_ =	strace $0x90000047  }
0xa7: {  	s0 =	sadd.s32 @!p0 $0x100000, s0;
	[bflag:$0x2] =	sbarrier.arrive $0xFFFF  }
0xa8: {  	[sflag:s0] =	ssyncadd.tile.s32 @!p0 $0x1;
	_ =	shalt  }
.Lfunc_end1:
_tile_overlayer_lowered:
.L_overlay_start_2:
0xa9: {  	(tag) =	ssettag $0x2  }
0xaa: {  	s0 =	rddreg [dreg:$0x0];
	s2 =	stileid.u32  }
0xab: {  	s1 =	rddreg [dreg:$0x1];
	p0 =	sne.s32 s2, $0x0  }
0xac: {  	s3 =	rddreg [dreg:$0x2];
	[bflag:$0x3] =	sbarrier.arrive $0xFFFF;
	s2 =	simm.s32 @!p0 $0x1C01  }
0xad: {  	[timem:s3], [sflag:s2] =	dma.local @!p0 [hbm:s0], s1  }
0xae: {  	s0 =	simm.s32 @!p0 $0x1  }
0xaf: {  	_ =	swait.ge @!p0 [sflag:s0], s1  }
0xb0: {  	s1 =	ssub.s32 @!p0 $0x0, s1;
	[sflag:s0] =	ssyncset.done @!p0 $0x0  }
0xb1: {  	[sflag:s0] =	ssyncadd.s32 @!p0 s1  }
0xb2: {  	[bflag:$0x3] =	sbarrier.arrive $0xFFFF  }
0xb3: {  	_ =	shalt  }

</sc_bundles>
